<compile_context>
chip_gen: v7x
topology: tpu7x:2x2x1
jax: 0.10.2.dev20260603
libtpu: 0.0.44.dev20260713+nightly
codegen_flags: <defaults>
</compile_context>

<pallas_src>
import jax
import jax.numpy as jnp
from jax import lax
from jax.experimental import pallas as pl
from jax.experimental.pallas import tpu as pltpu
from jax.experimental.pallas import tpu_sc as plsc

_B = 128
_N = 576
_K = 24
_C = 571
_NCH = _N // 16
_NW = 32
_RPW = _B // _NW


def _sort16(v):
    dummy = jnp.zeros((16,), jnp.int32)
    k, _ = plsc.sort_key_val(v, dummy, descending=True)
    return k


def _merge16(a, b):
    rb = lax.rev(b, (0,))
    lo = jnp.maximum(a, rb)
    hi = jnp.minimum(a, rb)
    return _sort16(lo), _sort16(hi)


def _merge32(a0, a1, b0, b1):
    m0 = jnp.maximum(a0, lax.rev(b1, (0,)))
    m1 = jnp.maximum(a1, lax.rev(b0, (0,)))
    lo = jnp.maximum(m0, m1)
    hi = jnp.minimum(m0, m1)
    return _sort16(lo), _sort16(hi)


def _top32(buf, nodes, off=0):
    @pl.loop(0, _NCH // 2)
    def _l0(i):
        a = _sort16(buf[pl.ds(off + 32 * i, 16)])
        b = _sort16(buf[pl.ds(off + 32 * i + 16, 16)])
        lo, hi = _merge16(a, b)
        nodes[pl.ds(32 * i, 16)] = lo
        nodes[pl.ds(32 * i + 16, 16)] = hi

    n = _NCH // 2
    while n > 1:
        m = n // 2

        @pl.loop(0, m)
        def _lv(i):
            a0 = nodes[pl.ds(64 * i, 16)]
            a1 = nodes[pl.ds(64 * i + 16, 16)]
            b0 = nodes[pl.ds(64 * i + 32, 16)]
            b1 = nodes[pl.ds(64 * i + 48, 16)]
            lo, hi = _merge32(a0, a1, b0, b1)
            nodes[pl.ds(32 * i, 16)] = lo
            nodes[pl.ds(32 * i + 16, 16)] = hi

        if n % 2:
            lo = nodes[pl.ds(32 * (n - 1), 16)]
            hi = nodes[pl.ds(32 * (n - 1) + 16, 16)]
            nodes[pl.ds(32 * m, 16)] = lo
            nodes[pl.ds(32 * m + 16, 16)] = hi
            n = m + 1
        else:
            n = m
    return nodes[pl.ds(0, 16)], nodes[pl.ds(16, 16)]


def _body(score_hbm, taps, idx_out, cnt_out,
          score, cntbuf, outbuf, keybuf, nodes_f, nodes_i, tscr, patch32):
    wid = lax.axis_index("c") * 16 + lax.axis_index("s")

    pltpu.sync_copy(score_hbm.at[pl.ds(wid * (_RPW * _N), _RPW * _N)], score)
    pltpu.sync_copy(taps, tscr)

    zeros16 = jnp.zeros((16,), jnp.float32)
    iota16 = lax.iota(jnp.int32, 16)

    def _bcast_lane(v, lane):
        m = jnp.max(jnp.where(iota16 == lane, v, jnp.float32(-3e38)))
        return zeros16 + m

    tv = tscr[pl.ds(0, 16)]
    tap = [_bcast_lane(tv, t) for t in range(9)]

    cntbuf[pl.ds(0, 16)] = zeros16
    cntbuf[pl.ds(16 + _N, 16)] = zeros16

    @pl.loop(0, _RPW)
    def _row(r):
        b = wid * _RPW + r
        roff = r * _N

        lo, hi = _top32(score, nodes_f, off=roff)
        tsp = _bcast_lane(hi, _K - 1 - 16)
        ngt = (plsc.all_reduce_population_count(lo > tsp)
               + plsc.all_reduce_population_count(hi > tsp))
        rem = jnp.full((16,), _K, jnp.int32) - ngt

        @pl.loop(0, _NCH, init_carry=jnp.zeros((16,), jnp.int32))
        def _sel(c, carry):
            v = score[pl.ds(roff + 16 * c, 16)]
            gt = v > tsp
            eq = v == tsp
            eqi = jnp.where(eq, jnp.int32(1), jnp.int32(0))
            pc = jnp.cumsum(eqi) + carry
            sel = gt | (eq & (pc <= rem))
            cntbuf[pl.ds(16 + 16 * c, 16)] = jnp.where(sel, jnp.float32(1.0),
                                                       jnp.float32(0.0))
            return carry + plsc.all_reduce_population_count(eq)

        @pl.loop(0, _NCH)
        def _conv(c):
            base = 15 + 16 * c
            acc = tap[0] * cntbuf[pl.ds(base, 16)]
            for t in range(1, 9):
                acc = acc + tap[t] * cntbuf[pl.ds(base + t, 16)]
            outbuf[pl.ds(roff + 16 * c, 16)] = acc
            jv = iota16 + 16 * c
            key = (acc.astype(jnp.int32) << 10) + (jnp.int32(1023) - jv)
            key = jnp.where(jv < _C, key, jnp.int32(-1))
            keybuf[pl.ds(16 * c, 16)] = key

        klo, khi = _top32(keybuf, nodes_i)
        patch32[pl.ds(r * 32, 16)] = jnp.int32(1024) - (klo & jnp.int32(1023))
        patch32[pl.ds(r * 32 + 16, 16)] = jnp.int32(1024) - (khi & jnp.int32(1023))

    pltpu.sync_copy(patch32, idx_out.at[pl.ds(wid * (_RPW * 32), _RPW * 32)])
    pltpu.sync_copy(outbuf, cnt_out.at[pl.ds(wid * (_RPW * _N), _RPW * _N)])


def kernel(x, kernel):
    mesh = plsc.VectorSubcoreMesh(core_axis_name="c", subcore_axis_name="s")
    run = pl.kernel(
        _body,
        out_type=(jax.ShapeDtypeStruct((_B * 32,), jnp.int32),
                  jax.ShapeDtypeStruct((_B * _N,), jnp.float32)),
        mesh=mesh,
        compiler_params=pltpu.CompilerParams(needs_layout_passes=False),
        scratch_types=[
            pltpu.VMEM((_RPW * _N,), jnp.float32),
            pltpu.VMEM((_N + 32,), jnp.float32),
            pltpu.VMEM((_RPW * _N,), jnp.float32),
            pltpu.VMEM((_N,), jnp.int32),
            pltpu.VMEM((_N,), jnp.float32),
            pltpu.VMEM((_N,), jnp.int32),
            pltpu.VMEM((16,), jnp.float32),
            pltpu.VMEM((_RPW * 32,), jnp.int32),
        ],
    )
    score1d = x[:, 1:, 0].reshape(_B * _N)
    taps16 = jnp.pad(kernel.reshape(9), (0, 7))
    idx_pad, cnt_pad = run(score1d, taps16)
    return (idx_pad.reshape(_B, 32)[:, :_K],
            cnt_pad.reshape(_B, _N)[:, :_C])

# --- scband reference (transcript-rebuilt; emitter-appended) ---
"""Pipeline reference for scband-multi-head-voting-72945724555729 (READ-ONLY COPY).

The authoritative reference and input builder live on the scoring server;
editing this copy changes nothing except your own understanding.
"""

import jax, jax.numpy as jnp
import numpy as np

VOTE_PERHEAD = 24


def setup_inputs(seed: int = 0) -> dict:
    key = jax.random.key(seed)
    x = jax.random.normal(key, (128, 577, 577), dtype=jnp.float32)
    # fixed smoothing kernel (buffer, fix=True)
    kernel = jnp.array([[1.0, 2.0, 1.0], [2.0, 4.0, 2.0], [1.0, 2.0, 1.0]], dtype=jnp.float32)
    return {"x": x, "kernel": kernel}


def _enhance_local(count, kernel):
    B, total_length = count.shape[0], count.shape[1]
    H = int(np.sqrt(total_length))
    if H * H == total_length:
        c = count.reshape(B, 1, H, H)
        out = jax.lax.conv_general_dilated(
            c, kernel.reshape(1, 1, 3, 3), window_strides=(1, 1),
            padding=[(1, 1), (1, 1)], dimension_numbers=("NCHW", "OIHW", "NCHW"))
        return out.reshape(B, -1)
    else:
        # faithful to torch: kernel.view(1,1,-1) -> 1D kernel of length 9, padding=1
        k1 = kernel.reshape(1, 1, -1)
        out = jax.lax.conv_general_dilated(
            count[:, None, :], k1, window_strides=(1,),
            padding=[(1, 1)], dimension_numbers=("NCH", "OIH", "NCH"))
        return out.reshape(B, -1)


def reference(x, kernel):
    B, seq_len = x.shape[0], x.shape[1]
    vote_perhead = VOTE_PERHEAD
    select_num = vote_perhead  # select_num=None default
    score = x[:, 1:seq_len, 0]
    _, select = jax.lax.top_k(score, vote_perhead)
    select = select.reshape(B, -1)
    # per-batch bincount with minlength=seq_len (max index <= seq_len-2 < seq_len)
    count = jax.vmap(lambda b: jnp.zeros((seq_len,), jnp.float32).at[b].add(1.0))(select)
    # last=False -> enhance_local
    count = _enhance_local(count, kernel)
    # torch.sort(count, dim=-1, descending=True) -> indices
    patch_idx = jnp.argsort(-count, axis=-1) + 1
    return (patch_idx[:, :select_num], count)

if __name__ == "__main__":
    import jax
    _d = setup_inputs()
    print(jax.jit(kernel)(*tuple(_d.values())))

</pallas_src>

<mosaic_0001>
#map = affine_map<(d0, d1) -> (0)>
module attributes {stable_mosaic.version = 14 : i64} {
  func.func @_body(%arg0: i32, %arg1: i32, %arg2: memref<73728xf32, #tpu.memory_space<hbm>>, %arg3: memref<16xf32, #tpu.memory_space<hbm>>, %arg4: memref<4096xi32, #tpu.memory_space<hbm>>, %arg5: memref<73728xf32, #tpu.memory_space<hbm>>, %arg6: memref<2304xf32, #tpu.memory_space<vmem>>, %arg7: memref<608xf32, #tpu.memory_space<vmem>>, %arg8: memref<2304xf32, #tpu.memory_space<vmem>>, %arg9: memref<576xi32, #tpu.memory_space<vmem>>, %arg10: memref<576xf32, #tpu.memory_space<vmem>>, %arg11: memref<576xi32, #tpu.memory_space<vmem>>, %arg12: memref<16xf32, #tpu.memory_space<vmem>>, %arg13: memref<128xi32, #tpu.memory_space<vmem>>) attributes {dimension_semantics = [#tpu.dimension_semantics<core_parallel>, #tpu.dimension_semantics<subcore_parallel>], iteration_bounds = array<i64: 2, 16>, scalar_prefetch = 0 : i64, scratch_operands = 8 : i64, tpu.core_type = #tpu.core_type<sc_vector_subcore>, window_params = [{transform_indices = #map}, {transform_indices = #map}, {transform_indices = #map}, {transform_indices = #map}]} {
    %mul3A = arith.constant 16 : i32
    %mul3A_0 = arith.muli %arg0, %mul3A : i32
    %add3A = arith.addi %mul3A_0, %arg1 : i32
    %mul3A_1 = arith.constant 2304 : i32
    %mul3A_2 = arith.muli %add3A, %mul3A_1 : i32
    "tpu.region"() ({
      %run_scoped3A = tpu.sem_alloc : memref<!tpu.dma_semaphore, #tpu.memory_space<semaphore_mem>>
      %dma_start3A = tpu.memref_slice %arg2[%mul3A_2] : memref<73728xf32, #tpu.memory_space<hbm>> -> memref<2304xf32, #tpu.memory_space<hbm>>
      %dma_start3A_120 = tpu.memref_slice %arg2[%mul3A_2] : memref<73728xf32, #tpu.memory_space<hbm>> -> memref<2304xf32, #tpu.memory_space<hbm>>
      tpu.enqueue_dma source(%dma_start3A_120 : memref<2304xf32, #tpu.memory_space<hbm>>) target(%arg6 : memref<2304xf32, #tpu.memory_space<vmem>>) target_semaphore(%run_scoped3A : memref<!tpu.dma_semaphore, #tpu.memory_space<semaphore_mem>>)
      %dma_wait3A = tpu.memref_slice %arg2[%mul3A_2] : memref<73728xf32, #tpu.memory_space<hbm>> -> memref<2304xf32, #tpu.memory_space<hbm>>
      %dma_wait3A_121 = tpu.memref_slice %arg2[%mul3A_2] : memref<73728xf32, #tpu.memory_space<hbm>> -> memref<2304xf32, #tpu.memory_space<hbm>>
      tpu.wait_dma2 semaphore(%run_scoped3A : memref<!tpu.dma_semaphore, #tpu.memory_space<semaphore_mem>>) src(%dma_wait3A_121 : memref<2304xf32, #tpu.memory_space<hbm>>) dst(%arg6 : memref<2304xf32, #tpu.memory_space<vmem>>)
      tpu.yield
    }) : () -> ()
    "tpu.region"() ({
      %run_scoped3A = tpu.sem_alloc : memref<!tpu.dma_semaphore, #tpu.memory_space<semaphore_mem>>
      tpu.enqueue_dma source(%arg3 : memref<16xf32, #tpu.memory_space<hbm>>) target(%arg12 : memref<16xf32, #tpu.memory_space<vmem>>) target_semaphore(%run_scoped3A : memref<!tpu.dma_semaphore, #tpu.memory_space<semaphore_mem>>)
      tpu.wait_dma2 semaphore(%run_scoped3A : memref<!tpu.dma_semaphore, #tpu.memory_space<semaphore_mem>>) src(%arg3 : memref<16xf32, #tpu.memory_space<hbm>>) dst(%arg12 : memref<16xf32, #tpu.memory_space<vmem>>)
      tpu.yield
    }) : () -> ()
    %broadcast_in_dim3A = arith.constant 0.000000e+00 : f32
    %broadcast_in_dim3A_3 = vector.broadcast %broadcast_in_dim3A : f32 to vector<16xf32>
    %iota3A = tpu.iota {dimensions = array<i32: 0>} : vector<16xi32>
    %get3A = arith.constant 0 : index
    %get3A_4 = tpu.vector_load %arg12[%get3A] {strides = array<i32>} : memref<16xf32, #tpu.memory_space<vmem>>, vector<16xf32>,
    %eq3A = arith.constant 0 : i32
    %eq3A_5 = vector.broadcast %eq3A : i32 to vector<16xi32>
    %eq3A_6 = arith.cmpi eq, %iota3A, %eq3A_5 : vector<16xi32>
    %jit3A = arith.constant -3.000000e+38 : f32
    %broadcast_in_dim3A_7 = vector.broadcast %jit3A : f32 to vector<16xf32>
    %select_n3A = arith.select %eq3A_6, %get3A_4, %broadcast_in_dim3A_7 : vector<16xi1>, vector<16xf32>
    %reduce_max3A = arith.constant true
    %reduce_max3A_8 = vector.broadcast %reduce_max3A : i1 to vector<16xi1>
    %reduce_max3A_9 = tpu.scan <max>, %select_n3A masked %reduce_max3A_8 : vector<16xf32>, vector<16xi1> -> vector<16xf32>
    %reduce_max3A_10 = vector.extract %reduce_max3A_9[15] : f32 from vector<16xf32>
    %add3A_11 = vector.broadcast %reduce_max3A_10 : f32 to vector<16xf32>
    %add3A_12 = arith.addf %broadcast_in_dim3A_3, %add3A_11 : vector<16xf32>
    %eq3A_13 = arith.constant 1 : i32
    %eq3A_14 = vector.broadcast %eq3A_13 : i32 to vector<16xi32>
    %eq3A_15 = arith.cmpi eq, %iota3A, %eq3A_14 : vector<16xi32>
    %jit3A_16 = arith.constant -3.000000e+38 : f32
    %broadcast_in_dim3A_17 = vector.broadcast %jit3A_16 : f32 to vector<16xf32>
    %select_n3A_18 = arith.select %eq3A_15, %get3A_4, %broadcast_in_dim3A_17 : vector<16xi1>, vector<16xf32>
    %reduce_max3A_19 = arith.constant true
    %reduce_max3A_20 = vector.broadcast %reduce_max3A_19 : i1 to vector<16xi1>
    %reduce_max3A_21 = tpu.scan <max>, %select_n3A_18 masked %reduce_max3A_20 : vector<16xf32>, vector<16xi1> -> vector<16xf32>
    %reduce_max3A_22 = vector.extract %reduce_max3A_21[15] : f32 from vector<16xf32>
    %add3A_23 = vector.broadcast %reduce_max3A_22 : f32 to vector<16xf32>
    %add3A_24 = arith.addf %broadcast_in_dim3A_3, %add3A_23 : vector<16xf32>
    %eq3A_25 = arith.constant 2 : i32
    %eq3A_26 = vector.broadcast %eq3A_25 : i32 to vector<16xi32>
    %eq3A_27 = arith.cmpi eq, %iota3A, %eq3A_26 : vector<16xi32>
    %jit3A_28 = arith.constant -3.000000e+38 : f32
    %broadcast_in_dim3A_29 = vector.broadcast %jit3A_28 : f32 to vector<16xf32>
    %select_n3A_30 = arith.select %eq3A_27, %get3A_4, %broadcast_in_dim3A_29 : vector<16xi1>, vector<16xf32>
    %reduce_max3A_31 = arith.constant true
    %reduce_max3A_32 = vector.broadcast %reduce_max3A_31 : i1 to vector<16xi1>
    %reduce_max3A_33 = tpu.scan <max>, %select_n3A_30 masked %reduce_max3A_32 : vector<16xf32>, vector<16xi1> -> vector<16xf32>
    %reduce_max3A_34 = vector.extract %reduce_max3A_33[15] : f32 from vector<16xf32>
    %add3A_35 = vector.broadcast %reduce_max3A_34 : f32 to vector<16xf32>
    %add3A_36 = arith.addf %broadcast_in_dim3A_3, %add3A_35 : vector<16xf32>
    %eq3A_37 = arith.constant 3 : i32
    %eq3A_38 = vector.broadcast %eq3A_37 : i32 to vector<16xi32>
    %eq3A_39 = arith.cmpi eq, %iota3A, %eq3A_38 : vector<16xi32>
    %jit3A_40 = arith.constant -3.000000e+38 : f32
    %broadcast_in_dim3A_41 = vector.broadcast %jit3A_40 : f32 to vector<16xf32>
    %select_n3A_42 = arith.select %eq3A_39, %get3A_4, %broadcast_in_dim3A_41 : vector<16xi1>, vector<16xf32>
    %reduce_max3A_43 = arith.constant true
    %reduce_max3A_44 = vector.broadcast %reduce_max3A_43 : i1 to vector<16xi1>
    %reduce_max3A_45 = tpu.scan <max>, %select_n3A_42 masked %reduce_max3A_44 : vector<16xf32>, vector<16xi1> -> vector<16xf32>
    %reduce_max3A_46 = vector.extract %reduce_max3A_45[15] : f32 from vector<16xf32>
    %add3A_47 = vector.broadcast %reduce_max3A_46 : f32 to vector<16xf32>
    %add3A_48 = arith.addf %broadcast_in_dim3A_3, %add3A_47 : vector<16xf32>
    %eq3A_49 = arith.constant 4 : i32
    %eq3A_50 = vector.broadcast %eq3A_49 : i32 to vector<16xi32>
    %eq3A_51 = arith.cmpi eq, %iota3A, %eq3A_50 : vector<16xi32>
    %jit3A_52 = arith.constant -3.000000e+38 : f32
    %broadcast_in_dim3A_53 = vector.broadcast %jit3A_52 : f32 to vector<16xf32>
    %select_n3A_54 = arith.select %eq3A_51, %get3A_4, %broadcast_in_dim3A_53 : vector<16xi1>, vector<16xf32>
    %reduce_max3A_55 = arith.constant true
    %reduce_max3A_56 = vector.broadcast %reduce_max3A_55 : i1 to vector<16xi1>
    %reduce_max3A_57 = tpu.scan <max>, %select_n3A_54 masked %reduce_max3A_56 : vector<16xf32>, vector<16xi1> -> vector<16xf32>
    %reduce_max3A_58 = vector.extract %reduce_max3A_57[15] : f32 from vector<16xf32>
    %add3A_59 = vector.broadcast %reduce_max3A_58 : f32 to vector<16xf32>
    %add3A_60 = arith.addf %broadcast_in_dim3A_3, %add3A_59 : vector<16xf32>
    %eq3A_61 = arith.constant 5 : i32
    %eq3A_62 = vector.broadcast %eq3A_61 : i32 to vector<16xi32>
    %eq3A_63 = arith.cmpi eq, %iota3A, %eq3A_62 : vector<16xi32>
    %jit3A_64 = arith.constant -3.000000e+38 : f32
    %broadcast_in_dim3A_65 = vector.broadcast %jit3A_64 : f32 to vector<16xf32>
    %select_n3A_66 = arith.select %eq3A_63, %get3A_4, %broadcast_in_dim3A_65 : vector<16xi1>, vector<16xf32>
    %reduce_max3A_67 = arith.constant true
    %reduce_max3A_68 = vector.broadcast %reduce_max3A_67 : i1 to vector<16xi1>
    %reduce_max3A_69 = tpu.scan <max>, %select_n3A_66 masked %reduce_max3A_68 : vector<16xf32>, vector<16xi1> -> vector<16xf32>
    %reduce_max3A_70 = vector.extract %reduce_max3A_69[15] : f32 from vector<16xf32>
    %add3A_71 = vector.broadcast %reduce_max3A_70 : f32 to vector<16xf32>
    %add3A_72 = arith.addf %broadcast_in_dim3A_3, %add3A_71 : vector<16xf32>
    %eq3A_73 = arith.constant 6 : i32
    %eq3A_74 = vector.broadcast %eq3A_73 : i32 to vector<16xi32>
    %eq3A_75 = arith.cmpi eq, %iota3A, %eq3A_74 : vector<16xi32>
    %jit3A_76 = arith.constant -3.000000e+38 : f32
    %broadcast_in_dim3A_77 = vector.broadcast %jit3A_76 : f32 to vector<16xf32>
    %select_n3A_78 = arith.select %eq3A_75, %get3A_4, %broadcast_in_dim3A_77 : vector<16xi1>, vector<16xf32>
    %reduce_max3A_79 = arith.constant true
    %reduce_max3A_80 = vector.broadcast %reduce_max3A_79 : i1 to vector<16xi1>
    %reduce_max3A_81 = tpu.scan <max>, %select_n3A_78 masked %reduce_max3A_80 : vector<16xf32>, vector<16xi1> -> vector<16xf32>
    %reduce_max3A_82 = vector.extract %reduce_max3A_81[15] : f32 from vector<16xf32>
    %add3A_83 = vector.broadcast %reduce_max3A_82 : f32 to vector<16xf32>
    %add3A_84 = arith.addf %broadcast_in_dim3A_3, %add3A_83 : vector<16xf32>
    %eq3A_85 = arith.constant 7 : i32
    %eq3A_86 = vector.broadcast %eq3A_85 : i32 to vector<16xi32>
    %eq3A_87 = arith.cmpi eq, %iota3A, %eq3A_86 : vector<16xi32>
    %jit3A_88 = arith.constant -3.000000e+38 : f32
    %broadcast_in_dim3A_89 = vector.broadcast %jit3A_88 : f32 to vector<16xf32>
    %select_n3A_90 = arith.select %eq3A_87, %get3A_4, %broadcast_in_dim3A_89 : vector<16xi1>, vector<16xf32>
    %reduce_max3A_91 = arith.constant true
    %reduce_max3A_92 = vector.broadcast %reduce_max3A_91 : i1 to vector<16xi1>
    %reduce_max3A_93 = tpu.scan <max>, %select_n3A_90 masked %reduce_max3A_92 : vector<16xf32>, vector<16xi1> -> vector<16xf32>
    %reduce_max3A_94 = vector.extract %reduce_max3A_93[15] : f32 from vector<16xf32>
    %add3A_95 = vector.broadcast %reduce_max3A_94 : f32 to vector<16xf32>
    %add3A_96 = arith.addf %broadcast_in_dim3A_3, %add3A_95 : vector<16xf32>
    %eq3A_97 = arith.constant 8 : i32
    %eq3A_98 = vector.broadcast %eq3A_97 : i32 to vector<16xi32>
    %eq3A_99 = arith.cmpi eq, %iota3A, %eq3A_98 : vector<16xi32>
    %jit3A_100 = arith.constant -3.000000e+38 : f32
    %broadcast_in_dim3A_101 = vector.broadcast %jit3A_100 : f32 to vector<16xf32>
    %select_n3A_102 = arith.select %eq3A_99, %get3A_4, %broadcast_in_dim3A_101 : vector<16xi1>, vector<16xf32>
    %reduce_max3A_103 = arith.constant true
    %reduce_max3A_104 = vector.broadcast %reduce_max3A_103 : i1 to vector<16xi1>
    %reduce_max3A_105 = tpu.scan <max>, %select_n3A_102 masked %reduce_max3A_104 : vector<16xf32>, vector<16xi1> -> vector<16xf32>
    %reduce_max3A_106 = vector.extract %reduce_max3A_105[15] : f32 from vector<16xf32>
    %add3A_107 = vector.broadcast %reduce_max3A_106 : f32 to vector<16xf32>
    %add3A_108 = arith.addf %broadcast_in_dim3A_3, %add3A_107 : vector<16xf32>
    %swap3A = arith.constant 0 : index
    %swap3A_109 = tpu.vector_load %arg7[%swap3A] {strides = array<i32>} : memref<608xf32, #tpu.memory_space<vmem>>, vector<16xf32>,
    tpu.vector_store %arg7[%swap3A], %broadcast_in_dim3A_3 {strides = array<i32>} : memref<608xf32, #tpu.memory_space<vmem>>, vector<16xf32>,
    %swap3A_110 = arith.constant 592 : index
    %swap3A_111 = tpu.vector_load %arg7[%swap3A_110] {strides = array<i32>} : memref<608xf32, #tpu.memory_space<vmem>>, vector<16xf32>,
    tpu.vector_store %arg7[%swap3A_110], %broadcast_in_dim3A_3 {strides = array<i32>} : memref<608xf32, #tpu.memory_space<vmem>>, vector<16xf32>,
    %scan3A = arith.constant 0 : i32
    %scan3A_112 = arith.constant 4 : i32
    %scan3A_113 = arith.addi %scan3A, %scan3A_112 : i32
    %scan3A_114 = arith.constant 1 : i32
    scf.for %scan3A_120 = %scan3A to %scan3A_113 step %scan3A_114  : i32 {
      %mul3A_121 = arith.constant 1 : i32
      %mul3A_122 = arith.muli %scan3A_120, %mul3A_121 : i32
      %add3A_123 = arith.constant 0 : i32
      %add3A_124 = arith.addi %add3A_123, %mul3A_122 : i32
      %mul3A_125 = arith.constant 4 : i32
      %mul3A_126 = arith.muli %add3A, %mul3A_125 : i32
      %add3A_127 = arith.addi %mul3A_126, %add3A_124 : i32
      %mul3A_128 = arith.constant 576 : i32
      %mul3A_129 = arith.muli %add3A_124, %mul3A_128 : i32
      %scan3A_130 = arith.constant 0 : i32
      %scan3A_131 = arith.constant 18 : i32
      %scan3A_132 = arith.addi %scan3A_130, %scan3A_131 : i32
      %scan3A_133 = arith.constant 1 : i32
      scf.for %scan3A_545 = %scan3A_130 to %scan3A_132 step %scan3A_133  : i32 {
        %mul3A_546 = arith.constant 1 : i32
        %mul3A_547 = arith.muli %scan3A_545, %mul3A_546 : i32
        %add3A_548 = arith.constant 0 : i32
        %add3A_549 = arith.addi %add3A_548, %mul3A_547 : i32
        %mul3A_550 = arith.constant 32 : i32
        %mul3A_551 = arith.muli %mul3A_550, %add3A_549 : i32
        %add3A_552 = arith.addi %mul3A_129, %mul3A_551 : i32
        %get3A_553 = arith.index_cast %add3A_552 : i32 to index
        %get3A_554 = tpu.vector_load %arg6[%get3A_553] {strides = array<i32>} : memref<2304xf32, #tpu.memory_space<vmem>>, vector<16xf32>,
        %broadcast_in_dim3A_555 = arith.constant 0 : i32
        %broadcast_in_dim3A_556 = vector.broadcast %broadcast_in_dim3A_555 : i32 to vector<16xi32>
        %masked_sort3A_557 = arith.constant dense<true> : vector<16xi1>
        %masked_sort3A_558, %masked_sort3A_559, %masked_sort3A_560 = tpu.sort %get3A_554, %broadcast_in_dim3A_556 masked %masked_sort3A_557 {descending = true} : (vector<16xf32>, vector<16xi32>, vector<16xi1>) -> (vector<16xi1>, vector<16xf32>, vector<16xi32>)
        %mul3A_561 = arith.constant 32 : i32
        %mul3A_562 = arith.muli %mul3A_561, %add3A_549 : i32
        %add3A_563 = arith.addi %mul3A_129, %mul3A_562 : i32
        %add3A_564 = arith.constant 16 : i32
        %add3A_565 = arith.addi %add3A_563, %add3A_564 : i32
        %get3A_566 = arith.index_cast %add3A_565 : i32 to index
        %get3A_567 = tpu.vector_load %arg6[%get3A_566] {strides = array<i32>} : memref<2304xf32, #tpu.memory_space<vmem>>, vector<16xf32>,
        %broadcast_in_dim3A_568 = arith.constant 0 : i32
        %broadcast_in_dim3A_569 = vector.broadcast %broadcast_in_dim3A_568 : i32 to vector<16xi32>
        %masked_sort3A_570 = arith.constant dense<true> : vector<16xi1>
        %masked_sort3A_571, %masked_sort3A_572, %masked_sort3A_573 = tpu.sort %get3A_567, %broadcast_in_dim3A_569 masked %masked_sort3A_570 {descending = true} : (vector<16xf32>, vector<16xi32>, vector<16xi1>) -> (vector<16xi1>, vector<16xf32>, vector<16xi32>)
        %rev3A_574 = arith.constant 15 : i32
        %rev3A_575 = vector.broadcast %rev3A_574 : i32 to vector<16xi32>
        %rev3A_576 = tpu.iota {dimensions = array<i32: 0>} : vector<16xi32>
        %rev3A_577 = arith.subi %rev3A_575, %rev3A_576 : vector<16xi32>
        %rev3A_578 = tpu.dynamic_gather %masked_sort3A_572[%rev3A_577] in [0] : vector<16xf32>, vector<16xi32> -> vector<16xf32>
        %max3A_579 = arith.maximumf %masked_sort3A_559, %rev3A_578 : vector<16xf32>
        %min3A_580 = arith.minimumf %masked_sort3A_559, %rev3A_578 : vector<16xf32>
        %broadcast_in_dim3A_581 = arith.constant 0 : i32
        %broadcast_in_dim3A_582 = vector.broadcast %broadcast_in_dim3A_581 : i32 to vector<16xi32>
        %masked_sort3A_583 = arith.constant dense<true> : vector<16xi1>
        %masked_sort3A_584, %masked_sort3A_585, %masked_sort3A_586 = tpu.sort %max3A_579, %broadcast_in_dim3A_582 masked %masked_sort3A_583 {descending = true} : (vector<16xf32>, vector<16xi32>, vector<16xi1>) -> (vector<16xi1>, vector<16xf32>, vector<16xi32>)
        %broadcast_in_dim3A_587 = arith.constant 0 : i32
        %broadcast_in_dim3A_588 = vector.broadcast %broadcast_in_dim3A_587 : i32 to vector<16xi32>
        %masked_sort3A_589 = arith.constant dense<true> : vector<16xi1>
        %masked_sort3A_590, %masked_sort3A_591, %masked_sort3A_592 = tpu.sort %min3A_580, %broadcast_in_dim3A_588 masked %masked_sort3A_589 {descending = true} : (vector<16xf32>, vector<16xi32>, vector<16xi1>) -> (vector<16xi1>, vector<16xf32>, vector<16xi32>)
        %mul3A_593 = arith.constant 32 : i32
        %mul3A_594 = arith.muli %mul3A_593, %add3A_549 : i32
        %swap3A_595 = arith.index_cast %mul3A_594 : i32 to index
        %swap3A_596 = tpu.vector_load %arg10[%swap3A_595] {strides = array<i32>} : memref<576xf32, #tpu.memory_space<vmem>>, vector<16xf32>,
        tpu.vector_store %arg10[%swap3A_595], %masked_sort3A_585 {strides = array<i32>} : memref<576xf32, #tpu.memory_space<vmem>>, vector<16xf32>,
        %mul3A_597 = arith.constant 32 : i32
        %mul3A_598 = arith.muli %mul3A_597, %add3A_549 : i32
        %add3A_599 = arith.constant 16 : i32
        %add3A_600 = arith.addi %mul3A_598, %add3A_599 : i32
        %swap3A_601 = arith.index_cast %add3A_600 : i32 to index
        %swap3A_602 = tpu.vector_load %arg10[%swap3A_601] {strides = array<i32>} : memref<576xf32, #tpu.memory_space<vmem>>, vector<16xf32>,
        tpu.vector_store %arg10[%swap3A_601], %masked_sort3A_591 {strides = array<i32>} : memref<576xf32, #tpu.memory_space<vmem>>, vector<16xf32>,
      }
      %scan3A_134 = arith.constant 18 : i32
      %scan3A_135 = arith.constant 0 : i32
      %scan3A_136 = arith.constant 9 : i32
      %scan3A_137 = arith.addi %scan3A_135, %scan3A_136 : i32
      %scan3A_138 = arith.constant 1 : i32
      scf.for %scan3A_545 = %scan3A_135 to %scan3A_137 step %scan3A_138  : i32 {
        %mul3A_546 = arith.constant 1 : i32
        %mul3A_547 = arith.muli %scan3A_545, %mul3A_546 : i32
        %add3A_548 = arith.constant 0 : i32
        %add3A_549 = arith.addi %add3A_548, %mul3A_547 : i32
        %mul3A_550 = arith.constant 64 : i32
        %mul3A_551 = arith.muli %mul3A_550, %add3A_549 : i32
        %get3A_552 = arith.index_cast %mul3A_551 : i32 to index
        %get3A_553 = tpu.vector_load %arg10[%get3A_552] {strides = array<i32>} : memref<576xf32, #tpu.memory_space<vmem>>, vector<16xf32>,
        %mul3A_554 = arith.constant 64 : i32
        %mul3A_555 = arith.muli %mul3A_554, %add3A_549 : i32
        %add3A_556 = arith.constant 16 : i32
        %add3A_557 = arith.addi %mul3A_555, %add3A_556 : i32
        %get3A_558 = arith.index_cast %add3A_557 : i32 to index
        %get3A_559 = tpu.vector_load %arg10[%get3A_558] {strides = array<i32>} : memref<576xf32, #tpu.memory_space<vmem>>, vector<16xf32>,
        %mul3A_560 = arith.constant 64 : i32
        %mul3A_561 = arith.muli %mul3A_560, %add3A_549 : i32
        %add3A_562 = arith.constant 32 : i32
        %add3A_563 = arith.addi %mul3A_561, %add3A_562 : i32
        %get3A_564 = arith.index_cast %add3A_563 : i32 to index
        %get3A_565 = tpu.vector_load %arg10[%get3A_564] {strides = array<i32>} : memref<576xf32, #tpu.memory_space<vmem>>, vector<16xf32>,
        %mul3A_566 = arith.constant 64 : i32
        %mul3A_567 = arith.muli %mul3A_566, %add3A_549 : i32
        %add3A_568 = arith.constant 48 : i32
        %add3A_569 = arith.addi %mul3A_567, %add3A_568 : i32
        %get3A_570 = arith.index_cast %add3A_569 : i32 to index
        %get3A_571 = tpu.vector_load %arg10[%get3A_570] {strides = array<i32>} : memref<576xf32, #tpu.memory_space<vmem>>, vector<16xf32>,
        %rev3A_572 = arith.constant 15 : i32
        %rev3A_573 = vector.broadcast %rev3A_572 : i32 to vector<16xi32>
        %rev3A_574 = tpu.iota {dimensions = array<i32: 0>} : vector<16xi32>
        %rev3A_575 = arith.subi %rev3A_573, %rev3A_574 : vector<16xi32>
        %rev3A_576 = tpu.dynamic_gather %get3A_571[%rev3A_575] in [0] : vector<16xf32>, vector<16xi32> -> vector<16xf32>
        %max3A_577 = arith.maximumf %get3A_553, %rev3A_576 : vector<16xf32>
        %rev3A_578 = arith.constant 15 : i32
        %rev3A_579 = vector.broadcast %rev3A_578 : i32 to vector<16xi32>
        %rev3A_580 = tpu.iota {dimensions = array<i32: 0>} : vector<16xi32>
        %rev3A_581 = arith.subi %rev3A_579, %rev3A_580 : vector<16xi32>
        %rev3A_582 = tpu.dynamic_gather %get3A_565[%rev3A_581] in [0] : vector<16xf32>, vector<16xi32> -> vector<16xf32>
        %max3A_583 = arith.maximumf %get3A_559, %rev3A_582 : vector<16xf32>
        %max3A_584 = arith.maximumf %max3A_577, %max3A_583 : vector<16xf32>
        %min3A_585 = arith.minimumf %max3A_577, %max3A_583 : vector<16xf32>
        %broadcast_in_dim3A_586 = arith.constant 0 : i32
        %broadcast_in_dim3A_587 = vector.broadcast %broadcast_in_dim3A_586 : i32 to vector<16xi32>
        %masked_sort3A_588 = arith.constant dense<true> : vector<16xi1>
        %masked_sort3A_589, %masked_sort3A_590, %masked_sort3A_591 = tpu.sort %max3A_584, %broadcast_in_dim3A_587 masked %masked_sort3A_588 {descending = true} : (vector<16xf32>, vector<16xi32>, vector<16xi1>) -> (vector<16xi1>, vector<16xf32>, vector<16xi32>)
        %broadcast_in_dim3A_592 = arith.constant 0 : i32
        %broadcast_in_dim3A_593 = vector.broadcast %broadcast_in_dim3A_592 : i32 to vector<16xi32>
        %masked_sort3A_594 = arith.constant dense<true> : vector<16xi1>
        %masked_sort3A_595, %masked_sort3A_596, %masked_sort3A_597 = tpu.sort %min3A_585, %broadcast_in_dim3A_593 masked %masked_sort3A_594 {descending = true} : (vector<16xf32>, vector<16xi32>, vector<16xi1>) -> (vector<16xi1>, vector<16xf32>, vector<16xi32>)
        %mul3A_598 = arith.constant 32 : i32
        %mul3A_599 = arith.muli %mul3A_598, %add3A_549 : i32
        %swap3A_600 = arith.index_cast %mul3A_599 : i32 to index
        %swap3A_601 = tpu.vector_load %arg10[%swap3A_600] {strides = array<i32>} : memref<576xf32, #tpu.memory_space<vmem>>, vector<16xf32>,
        tpu.vector_store %arg10[%swap3A_600], %masked_sort3A_590 {strides = array<i32>} : memref<576xf32, #tpu.memory_space<vmem>>, vector<16xf32>,
        %mul3A_602 = arith.constant 32 : i32
        %mul3A_603 = arith.muli %mul3A_602, %add3A_549 : i32
        %add3A_604 = arith.constant 16 : i32
        %add3A_605 = arith.addi %mul3A_603, %add3A_604 : i32
        %swap3A_606 = arith.index_cast %add3A_605 : i32 to index
        %swap3A_607 = tpu.vector_load %arg10[%swap3A_606] {strides = array<i32>} : memref<576xf32, #tpu.memory_space<vmem>>, vector<16xf32>,
        tpu.vector_store %arg10[%swap3A_606], %masked_sort3A_596 {strides = array<i32>} : memref<576xf32, #tpu.memory_space<vmem>>, vector<16xf32>,
      }
      %scan3A_139 = arith.constant 9 : i32
      %scan3A_140 = arith.constant 0 : i32
      %scan3A_141 = arith.constant 4 : i32
      %scan3A_142 = arith.addi %scan3A_140, %scan3A_141 : i32
      %scan3A_143 = arith.constant 1 : i32
      scf.for %scan3A_545 = %scan3A_140 to %scan3A_142 step %scan3A_143  : i32 {
        %mul3A_546 = arith.constant 1 : i32
        %mul3A_547 = arith.muli %scan3A_545, %mul3A_546 : i32
        %add3A_548 = arith.constant 0 : i32
        %add3A_549 = arith.addi %add3A_548, %mul3A_547 : i32
        %mul3A_550 = arith.constant 64 : i32
        %mul3A_551 = arith.muli %mul3A_550, %add3A_549 : i32
        %get3A_552 = arith.index_cast %mul3A_551 : i32 to index
        %get3A_553 = tpu.vector_load %arg10[%get3A_552] {strides = array<i32>} : memref<576xf32, #tpu.memory_space<vmem>>, vector<16xf32>,
        %mul3A_554 = arith.constant 64 : i32
        %mul3A_555 = arith.muli %mul3A_554, %add3A_549 : i32
        %add3A_556 = arith.constant 16 : i32
        %add3A_557 = arith.addi %mul3A_555, %add3A_556 : i32
        %get3A_558 = arith.index_cast %add3A_557 : i32 to index
        %get3A_559 = tpu.vector_load %arg10[%get3A_558] {strides = array<i32>} : memref<576xf32, #tpu.memory_space<vmem>>, vector<16xf32>,
        %mul3A_560 = arith.constant 64 : i32
        %mul3A_561 = arith.muli %mul3A_560, %add3A_549 : i32
        %add3A_562 = arith.constant 32 : i32
        %add3A_563 = arith.addi %mul3A_561, %add3A_562 : i32
        %get3A_564 = arith.index_cast %add3A_563 : i32 to index
        %get3A_565 = tpu.vector_load %arg10[%get3A_564] {strides = array<i32>} : memref<576xf32, #tpu.memory_space<vmem>>, vector<16xf32>,
        %mul3A_566 = arith.constant 64 : i32
        %mul3A_567 = arith.muli %mul3A_566, %add3A_549 : i32
        %add3A_568 = arith.constant 48 : i32
        %add3A_569 = arith.addi %mul3A_567, %add3A_568 : i32
        %get3A_570 = arith.index_cast %add3A_569 : i32 to index
        %get3A_571 = tpu.vector_load %arg10[%get3A_570] {strides = array<i32>} : memref<576xf32, #tpu.memory_space<vmem>>, vector<16xf32>,
        %rev3A_572 = arith.constant 15 : i32
        %rev3A_573 = vector.broadcast %rev3A_572 : i32 to vector<16xi32>
        %rev3A_574 = tpu.iota {dimensions = array<i32: 0>} : vector<16xi32>
        %rev3A_575 = arith.subi %rev3A_573, %rev3A_574 : vector<16xi32>
        %rev3A_576 = tpu.dynamic_gather %get3A_571[%rev3A_575] in [0] : vector<16xf32>, vector<16xi32> -> vector<16xf32>
        %max3A_577 = arith.maximumf %get3A_553, %rev3A_576 : vector<16xf32>
        %rev3A_578 = arith.constant 15 : i32
        %rev3A_579 = vector.broadcast %rev3A_578 : i32 to vector<16xi32>
        %rev3A_580 = tpu.iota {dimensions = array<i32: 0>} : vector<16xi32>
        %rev3A_581 = arith.subi %rev3A_579, %rev3A_580 : vector<16xi32>
        %rev3A_582 = tpu.dynamic_gather %get3A_565[%rev3A_581] in [0] : vector<16xf32>, vector<16xi32> -> vector<16xf32>
        %max3A_583 = arith.maximumf %get3A_559, %rev3A_582 : vector<16xf32>
        %max3A_584 = arith.maximumf %max3A_577, %max3A_583 : vector<16xf32>
        %min3A_585 = arith.minimumf %max3A_577, %max3A_583 : vector<16xf32>
        %broadcast_in_dim3A_586 = arith.constant 0 : i32
        %broadcast_in_dim3A_587 = vector.broadcast %broadcast_in_dim3A_586 : i32 to vector<16xi32>
        %masked_sort3A_588 = arith.constant dense<true> : vector<16xi1>
        %masked_sort3A_589, %masked_sort3A_590, %masked_sort3A_591 = tpu.sort %max3A_584, %broadcast_in_dim3A_587 masked %masked_sort3A_588 {descending = true} : (vector<16xf32>, vector<16xi32>, vector<16xi1>) -> (vector<16xi1>, vector<16xf32>, vector<16xi32>)
        %broadcast_in_dim3A_592 = arith.constant 0 : i32
        %broadcast_in_dim3A_593 = vector.broadcast %broadcast_in_dim3A_592 : i32 to vector<16xi32>
        %masked_sort3A_594 = arith.constant dense<true> : vector<16xi1>
        %masked_sort3A_595, %masked_sort3A_596, %masked_sort3A_597 = tpu.sort %min3A_585, %broadcast_in_dim3A_593 masked %masked_sort3A_594 {descending = true} : (vector<16xf32>, vector<16xi32>, vector<16xi1>) -> (vector<16xi1>, vector<16xf32>, vector<16xi32>)
        %mul3A_598 = arith.constant 32 : i32
        %mul3A_599 = arith.muli %mul3A_598, %add3A_549 : i32
        %swap3A_600 = arith.index_cast %mul3A_599 : i32 to index
        %swap3A_601 = tpu.vector_load %arg10[%swap3A_600] {strides = array<i32>} : memref<576xf32, #tpu.memory_space<vmem>>, vector<16xf32>,
        tpu.vector_store %arg10[%swap3A_600], %masked_sort3A_590 {strides = array<i32>} : memref<576xf32, #tpu.memory_space<vmem>>, vector<16xf32>,
        %mul3A_602 = arith.constant 32 : i32
        %mul3A_603 = arith.muli %mul3A_602, %add3A_549 : i32
        %add3A_604 = arith.constant 16 : i32
        %add3A_605 = arith.addi %mul3A_603, %add3A_604 : i32
        %swap3A_606 = arith.index_cast %add3A_605 : i32 to index
        %swap3A_607 = tpu.vector_load %arg10[%swap3A_606] {strides = array<i32>} : memref<576xf32, #tpu.memory_space<vmem>>, vector<16xf32>,
        tpu.vector_store %arg10[%swap3A_606], %masked_sort3A_596 {strides = array<i32>} : memref<576xf32, #tpu.memory_space<vmem>>, vector<16xf32>,
      }
      %scan3A_144 = arith.constant 4 : i32
      %get3A_145 = arith.constant 256 : index
      %get3A_146 = tpu.vector_load %arg10[%get3A_145] {strides = array<i32>} : memref<576xf32, #tpu.memory_space<vmem>>, vector<16xf32>,
      %get3A_147 = arith.constant 272 : index
      %get3A_148 = tpu.vector_load %arg10[%get3A_147] {strides = array<i32>} : memref<576xf32, #tpu.memory_space<vmem>>, vector<16xf32>,
      %swap3A_149 = arith.constant 128 : index
      %swap3A_150 = tpu.vector_load %arg10[%swap3A_149] {strides = array<i32>} : memref<576xf32, #tpu.memory_space<vmem>>, vector<16xf32>,
      tpu.vector_store %arg10[%swap3A_149], %get3A_146 {strides = array<i32>} : memref<576xf32, #tpu.memory_space<vmem>>, vector<16xf32>,
      %swap3A_151 = arith.constant 144 : index
      %swap3A_152 = tpu.vector_load %arg10[%swap3A_151] {strides = array<i32>} : memref<576xf32, #tpu.memory_space<vmem>>, vector<16xf32>,
      tpu.vector_store %arg10[%swap3A_151], %get3A_148 {strides = array<i32>} : memref<576xf32, #tpu.memory_space<vmem>>, vector<16xf32>,
      %scan3A_153 = arith.constant 0 : i32
      %scan3A_154 = arith.constant 2 : i32
      %scan3A_155 = arith.addi %scan3A_153, %scan3A_154 : i32
      %scan3A_156 = arith.constant 1 : i32
      scf.for %scan3A_545 = %scan3A_153 to %scan3A_155 step %scan3A_156  : i32 {
        %mul3A_546 = arith.constant 1 : i32
        %mul3A_547 = arith.muli %scan3A_545, %mul3A_546 : i32
        %add3A_548 = arith.constant 0 : i32
        %add3A_549 = arith.addi %add3A_548, %mul3A_547 : i32
        %mul3A_550 = arith.constant 64 : i32
        %mul3A_551 = arith.muli %mul3A_550, %add3A_549 : i32
        %get3A_552 = arith.index_cast %mul3A_551 : i32 to index
        %get3A_553 = tpu.vector_load %arg10[%get3A_552] {strides = array<i32>} : memref<576xf32, #tpu.memory_space<vmem>>, vector<16xf32>,
        %mul3A_554 = arith.constant 64 : i32
        %mul3A_555 = arith.muli %mul3A_554, %add3A_549 : i32
        %add3A_556 = arith.constant 16 : i32
        %add3A_557 = arith.addi %mul3A_555, %add3A_556 : i32
        %get3A_558 = arith.index_cast %add3A_557 : i32 to index
        %get3A_559 = tpu.vector_load %arg10[%get3A_558] {strides = array<i32>} : memref<576xf32, #tpu.memory_space<vmem>>, vector<16xf32>,
        %mul3A_560 = arith.constant 64 : i32
        %mul3A_561 = arith.muli %mul3A_560, %add3A_549 : i32
        %add3A_562 = arith.constant 32 : i32
        %add3A_563 = arith.addi %mul3A_561, %add3A_562 : i32
        %get3A_564 = arith.index_cast %add3A_563 : i32 to index
        %get3A_565 = tpu.vector_load %arg10[%get3A_564] {strides = array<i32>} : memref<576xf32, #tpu.memory_space<vmem>>, vector<16xf32>,
        %mul3A_566 = arith.constant 64 : i32
        %mul3A_567 = arith.muli %mul3A_566, %add3A_549 : i32
        %add3A_568 = arith.constant 48 : i32
        %add3A_569 = arith.addi %mul3A_567, %add3A_568 : i32
        %get3A_570 = arith.index_cast %add3A_569 : i32 to index
        %get3A_571 = tpu.vector_load %arg10[%get3A_570] {strides = array<i32>} : memref<576xf32, #tpu.memory_space<vmem>>, vector<16xf32>,
        %rev3A_572 = arith.constant 15 : i32
        %rev3A_573 = vector.broadcast %rev3A_572 : i32 to vector<16xi32>
        %rev3A_574 = tpu.iota {dimensions = array<i32: 0>} : vector<16xi32>
        %rev3A_575 = arith.subi %rev3A_573, %rev3A_574 : vector<16xi32>
        %rev3A_576 = tpu.dynamic_gather %get3A_571[%rev3A_575] in [0] : vector<16xf32>, vector<16xi32> -> vector<16xf32>
        %max3A_577 = arith.maximumf %get3A_553, %rev3A_576 : vector<16xf32>
        %rev3A_578 = arith.constant 15 : i32
        %rev3A_579 = vector.broadcast %rev3A_578 : i32 to vector<16xi32>
        %rev3A_580 = tpu.iota {dimensions = array<i32: 0>} : vector<16xi32>
        %rev3A_581 = arith.subi %rev3A_579, %rev3A_580 : vector<16xi32>
        %rev3A_582 = tpu.dynamic_gather %get3A_565[%rev3A_581] in [0] : vector<16xf32>, vector<16xi32> -> vector<16xf32>
        %max3A_583 = arith.maximumf %get3A_559, %rev3A_582 : vector<16xf32>
        %max3A_584 = arith.maximumf %max3A_577, %max3A_583 : vector<16xf32>
        %min3A_585 = arith.minimumf %max3A_577, %max3A_583 : vector<16xf32>
        %broadcast_in_dim3A_586 = arith.constant 0 : i32
        %broadcast_in_dim3A_587 = vector.broadcast %broadcast_in_dim3A_586 : i32 to vector<16xi32>
        %masked_sort3A_588 = arith.constant dense<true> : vector<16xi1>
        %masked_sort3A_589, %masked_sort3A_590, %masked_sort3A_591 = tpu.sort %max3A_584, %broadcast_in_dim3A_587 masked %masked_sort3A_588 {descending = true} : (vector<16xf32>, vector<16xi32>, vector<16xi1>) -> (vector<16xi1>, vector<16xf32>, vector<16xi32>)
        %broadcast_in_dim3A_592 = arith.constant 0 : i32
        %broadcast_in_dim3A_593 = vector.broadcast %broadcast_in_dim3A_592 : i32 to vector<16xi32>
        %masked_sort3A_594 = arith.constant dense<true> : vector<16xi1>
        %masked_sort3A_595, %masked_sort3A_596, %masked_sort3A_597 = tpu.sort %min3A_585, %broadcast_in_dim3A_593 masked %masked_sort3A_594 {descending = true} : (vector<16xf32>, vector<16xi32>, vector<16xi1>) -> (vector<16xi1>, vector<16xf32>, vector<16xi32>)
        %mul3A_598 = arith.constant 32 : i32
        %mul3A_599 = arith.muli %mul3A_598, %add3A_549 : i32
        %swap3A_600 = arith.index_cast %mul3A_599 : i32 to index
        %swap3A_601 = tpu.vector_load %arg10[%swap3A_600] {strides = array<i32>} : memref<576xf32, #tpu.memory_space<vmem>>, vector<16xf32>,
        tpu.vector_store %arg10[%swap3A_600], %masked_sort3A_590 {strides = array<i32>} : memref<576xf32, #tpu.memory_space<vmem>>, vector<16xf32>,
        %mul3A_602 = arith.constant 32 : i32
        %mul3A_603 = arith.muli %mul3A_602, %add3A_549 : i32
        %add3A_604 = arith.constant 16 : i32
        %add3A_605 = arith.addi %mul3A_603, %add3A_604 : i32
        %swap3A_606 = arith.index_cast %add3A_605 : i32 to index
        %swap3A_607 = tpu.vector_load %arg10[%swap3A_606] {strides = array<i32>} : memref<576xf32, #tpu.memory_space<vmem>>, vector<16xf32>,
        tpu.vector_store %arg10[%swap3A_606], %masked_sort3A_596 {strides = array<i32>} : memref<576xf32, #tpu.memory_space<vmem>>, vector<16xf32>,
      }
      %scan3A_157 = arith.constant 2 : i32
      %get3A_158 = arith.constant 128 : index
      %get3A_159 = tpu.vector_load %arg10[%get3A_158] {strides = array<i32>} : memref<576xf32, #tpu.memory_space<vmem>>, vector<16xf32>,
      %get3A_160 = arith.constant 144 : index
      %get3A_161 = tpu.vector_load %arg10[%get3A_160] {strides = array<i32>} : memref<576xf32, #tpu.memory_space<vmem>>, vector<16xf32>,
      %swap3A_162 = arith.constant 64 : index
      %swap3A_163 = tpu.vector_load %arg10[%swap3A_162] {strides = array<i32>} : memref<576xf32, #tpu.memory_space<vmem>>, vector<16xf32>,
      tpu.vector_store %arg10[%swap3A_162], %get3A_159 {strides = array<i32>} : memref<576xf32, #tpu.memory_space<vmem>>, vector<16xf32>,
      %swap3A_164 = arith.constant 80 : index
      %swap3A_165 = tpu.vector_load %arg10[%swap3A_164] {strides = array<i32>} : memref<576xf32, #tpu.memory_space<vmem>>, vector<16xf32>,
      tpu.vector_store %arg10[%swap3A_164], %get3A_161 {strides = array<i32>} : memref<576xf32, #tpu.memory_space<vmem>>, vector<16xf32>,
      %scan3A_166 = arith.constant 0 : i32
      %mul3A_167 = arith.constant 1 : i32
      %mul3A_168 = arith.muli %scan3A_166, %mul3A_167 : i32
      %add3A_169 = arith.constant 0 : i32
      %add3A_170 = arith.addi %add3A_169, %mul3A_168 : i32
      %mul3A_171 = arith.constant 64 : i32
      %mul3A_172 = arith.muli %mul3A_171, %add3A_170 : i32
      %get3A_173 = arith.index_cast %mul3A_172 : i32 to index
      %get3A_174 = tpu.vector_load %arg10[%get3A_173] {strides = array<i32>} : memref<576xf32, #tpu.memory_space<vmem>>, vector<16xf32>,
      %mul3A_175 = arith.constant 64 : i32
      %mul3A_176 = arith.muli %mul3A_175, %add3A_170 : i32
      %add3A_177 = arith.constant 16 : i32
      %add3A_178 = arith.addi %mul3A_176, %add3A_177 : i32
      %get3A_179 = arith.index_cast %add3A_178 : i32 to index
      %get3A_180 = tpu.vector_load %arg10[%get3A_179] {strides = array<i32>} : memref<576xf32, #tpu.memory_space<vmem>>, vector<16xf32>,
      %mul3A_181 = arith.constant 64 : i32
      %mul3A_182 = arith.muli %mul3A_181, %add3A_170 : i32
      %add3A_183 = arith.constant 32 : i32
      %add3A_184 = arith.addi %mul3A_182, %add3A_183 : i32
      %get3A_185 = arith.index_cast %add3A_184 : i32 to index
      %get3A_186 = tpu.vector_load %arg10[%get3A_185] {strides = array<i32>} : memref<576xf32, #tpu.memory_space<vmem>>, vector<16xf32>,
      %mul3A_187 = arith.constant 64 : i32
      %mul3A_188 = arith.muli %mul3A_187, %add3A_170 : i32
      %add3A_189 = arith.constant 48 : i32
      %add3A_190 = arith.addi %mul3A_188, %add3A_189 : i32
      %get3A_191 = arith.index_cast %add3A_190 : i32 to index
      %get3A_192 = tpu.vector_load %arg10[%get3A_191] {strides = array<i32>} : memref<576xf32, #tpu.memory_space<vmem>>, vector<16xf32>,
      %rev3A = arith.constant 15 : i32
      %rev3A_193 = vector.broadcast %rev3A : i32 to vector<16xi32>
      %rev3A_194 = tpu.iota {dimensions = array<i32: 0>} : vector<16xi32>
      %rev3A_195 = arith.subi %rev3A_193, %rev3A_194 : vector<16xi32>
      %rev3A_196 = tpu.dynamic_gather %get3A_192[%rev3A_195] in [0] : vector<16xf32>, vector<16xi32> -> vector<16xf32>
      %max3A = arith.maximumf %get3A_174, %rev3A_196 : vector<16xf32>
      %rev3A_197 = arith.constant 15 : i32
      %rev3A_198 = vector.broadcast %rev3A_197 : i32 to vector<16xi32>
      %rev3A_199 = tpu.iota {dimensions = array<i32: 0>} : vector<16xi32>
      %rev3A_200 = arith.subi %rev3A_198, %rev3A_199 : vector<16xi32>
      %rev3A_201 = tpu.dynamic_gather %get3A_186[%rev3A_200] in [0] : vector<16xf32>, vector<16xi32> -> vector<16xf32>
      %max3A_202 = arith.maximumf %get3A_180, %rev3A_201 : vector<16xf32>
      %max3A_203 = arith.maximumf %max3A, %max3A_202 : vector<16xf32>
      %min3A = arith.minimumf %max3A, %max3A_202 : vector<16xf32>
      %broadcast_in_dim3A_204 = arith.constant 0 : i32
      %broadcast_in_dim3A_205 = vector.broadcast %broadcast_in_dim3A_204 : i32 to vector<16xi32>
      %masked_sort3A = arith.constant dense<true> : vector<16xi1>
      %masked_sort3A_206, %masked_sort3A_207, %masked_sort3A_208 = tpu.sort %max3A_203, %broadcast_in_dim3A_205 masked %masked_sort3A {descending = true} : (vector<16xf32>, vector<16xi32>, vector<16xi1>) -> (vector<16xi1>, vector<16xf32>, vector<16xi32>)
      %broadcast_in_dim3A_209 = arith.constant 0 : i32
      %broadcast_in_dim3A_210 = vector.broadcast %broadcast_in_dim3A_209 : i32 to vector<16xi32>
      %masked_sort3A_211 = arith.constant dense<true> : vector<16xi1>
      %masked_sort3A_212, %masked_sort3A_213, %masked_sort3A_214 = tpu.sort %min3A, %broadcast_in_dim3A_210 masked %masked_sort3A_211 {descending = true} : (vector<16xf32>, vector<16xi32>, vector<16xi1>) -> (vector<16xi1>, vector<16xf32>, vector<16xi32>)
      %mul3A_215 = arith.constant 32 : i32
      %mul3A_216 = arith.muli %mul3A_215, %add3A_170 : i32
      %swap3A_217 = arith.index_cast %mul3A_216 : i32 to index
      %swap3A_218 = tpu.vector_load %arg10[%swap3A_217] {strides = array<i32>} : memref<576xf32, #tpu.memory_space<vmem>>, vector<16xf32>,
      tpu.vector_store %arg10[%swap3A_217], %masked_sort3A_207 {strides = array<i32>} : memref<576xf32, #tpu.memory_space<vmem>>, vector<16xf32>,
      %mul3A_219 = arith.constant 32 : i32
      %mul3A_220 = arith.muli %mul3A_219, %add3A_170 : i32
      %add3A_221 = arith.constant 16 : i32
      %add3A_222 = arith.addi %mul3A_220, %add3A_221 : i32
      %swap3A_223 = arith.index_cast %add3A_222 : i32 to index
      %swap3A_224 = tpu.vector_load %arg10[%swap3A_223] {strides = array<i32>} : memref<576xf32, #tpu.memory_space<vmem>>, vector<16xf32>,
      tpu.vector_store %arg10[%swap3A_223], %masked_sort3A_213 {strides = array<i32>} : memref<576xf32, #tpu.memory_space<vmem>>, vector<16xf32>,
      %scan3A_225 = arith.constant 1 : i32
      %get3A_226 = arith.constant 64 : index
      %get3A_227 = tpu.vector_load %arg10[%get3A_226] {strides = array<i32>} : memref<576xf32, #tpu.memory_space<vmem>>, vector<16xf32>,
      %get3A_228 = arith.constant 80 : index
      %get3A_229 = tpu.vector_load %arg10[%get3A_228] {strides = array<i32>} : memref<576xf32, #tpu.memory_space<vmem>>, vector<16xf32>,
      %swap3A_230 = arith.constant 32 : index
      %swap3A_231 = tpu.vector_load %arg10[%swap3A_230] {strides = array<i32>} : memref<576xf32, #tpu.memory_space<vmem>>, vector<16xf32>,
      tpu.vector_store %arg10[%swap3A_230], %get3A_227 {strides = array<i32>} : memref<576xf32, #tpu.memory_space<vmem>>, vector<16xf32>,
      %swap3A_232 = arith.constant 48 : index
      %swap3A_233 = tpu.vector_load %arg10[%swap3A_232] {strides = array<i32>} : memref<576xf32, #tpu.memory_space<vmem>>, vector<16xf32>,
      tpu.vector_store %arg10[%swap3A_232], %get3A_229 {strides = array<i32>} : memref<576xf32, #tpu.memory_space<vmem>>, vector<16xf32>,
      %scan3A_234 = arith.constant 0 : i32
      %mul3A_235 = arith.constant 1 : i32
      %mul3A_236 = arith.muli %scan3A_234, %mul3A_235 : i32
      %add3A_237 = arith.constant 0 : i32
      %add3A_238 = arith.addi %add3A_237, %mul3A_236 : i32
      %mul3A_239 = arith.constant 64 : i32
      %mul3A_240 = arith.muli %mul3A_239, %add3A_238 : i32
      %get3A_241 = arith.index_cast %mul3A_240 : i32 to index
      %get3A_242 = tpu.vector_load %arg10[%get3A_241] {strides = array<i32>} : memref<576xf32, #tpu.memory_space<vmem>>, vector<16xf32>,
      %mul3A_243 = arith.constant 64 : i32
      %mul3A_244 = arith.muli %mul3A_243, %add3A_238 : i32
      %add3A_245 = arith.constant 16 : i32
      %add3A_246 = arith.addi %mul3A_244, %add3A_245 : i32
      %get3A_247 = arith.index_cast %add3A_246 : i32 to index
      %get3A_248 = tpu.vector_load %arg10[%get3A_247] {strides = array<i32>} : memref<576xf32, #tpu.memory_space<vmem>>, vector<16xf32>,
      %mul3A_249 = arith.constant 64 : i32
      %mul3A_250 = arith.muli %mul3A_249, %add3A_238 : i32
      %add3A_251 = arith.constant 32 : i32
      %add3A_252 = arith.addi %mul3A_250, %add3A_251 : i32
      %get3A_253 = arith.index_cast %add3A_252 : i32 to index
      %get3A_254 = tpu.vector_load %arg10[%get3A_253] {strides = array<i32>} : memref<576xf32, #tpu.memory_space<vmem>>, vector<16xf32>,
      %mul3A_255 = arith.constant 64 : i32
      %mul3A_256 = arith.muli %mul3A_255, %add3A_238 : i32
      %add3A_257 = arith.constant 48 : i32
      %add3A_258 = arith.addi %mul3A_256, %add3A_257 : i32
      %get3A_259 = arith.index_cast %add3A_258 : i32 to index
      %get3A_260 = tpu.vector_load %arg10[%get3A_259] {strides = array<i32>} : memref<576xf32, #tpu.memory_space<vmem>>, vector<16xf32>,
      %rev3A_261 = arith.constant 15 : i32
      %rev3A_262 = vector.broadcast %rev3A_261 : i32 to vector<16xi32>
      %rev3A_263 = tpu.iota {dimensions = array<i32: 0>} : vector<16xi32>
      %rev3A_264 = arith.subi %rev3A_262, %rev3A_263 : vector<16xi32>
      %rev3A_265 = tpu.dynamic_gather %get3A_260[%rev3A_264] in [0] : vector<16xf32>, vector<16xi32> -> vector<16xf32>
      %max3A_266 = arith.maximumf %get3A_242, %rev3A_265 : vector<16xf32>
      %rev3A_267 = arith.constant 15 : i32
      %rev3A_268 = vector.broadcast %rev3A_267 : i32 to vector<16xi32>
      %rev3A_269 = tpu.iota {dimensions = array<i32: 0>} : vector<16xi32>
      %rev3A_270 = arith.subi %rev3A_268, %rev3A_269 : vector<16xi32>
      %rev3A_271 = tpu.dynamic_gather %get3A_254[%rev3A_270] in [0] : vector<16xf32>, vector<16xi32> -> vector<16xf32>
      %max3A_272 = arith.maximumf %get3A_248, %rev3A_271 : vector<16xf32>
      %max3A_273 = arith.maximumf %max3A_266, %max3A_272 : vector<16xf32>
      %min3A_274 = arith.minimumf %max3A_266, %max3A_272 : vector<16xf32>
      %broadcast_in_dim3A_275 = arith.constant 0 : i32
      %broadcast_in_dim3A_276 = vector.broadcast %broadcast_in_dim3A_275 : i32 to vector<16xi32>
      %masked_sort3A_277 = arith.constant dense<true> : vector<16xi1>
      %masked_sort3A_278, %masked_sort3A_279, %masked_sort3A_280 = tpu.sort %max3A_273, %broadcast_in_dim3A_276 masked %masked_sort3A_277 {descending = true} : (vector<16xf32>, vector<16xi32>, vector<16xi1>) -> (vector<16xi1>, vector<16xf32>, vector<16xi32>)
      %broadcast_in_dim3A_281 = arith.constant 0 : i32
      %broadcast_in_dim3A_282 = vector.broadcast %broadcast_in_dim3A_281 : i32 to vector<16xi32>
      %masked_sort3A_283 = arith.constant dense<true> : vector<16xi1>
      %masked_sort3A_284, %masked_sort3A_285, %masked_sort3A_286 = tpu.sort %min3A_274, %broadcast_in_dim3A_282 masked %masked_sort3A_283 {descending = true} : (vector<16xf32>, vector<16xi32>, vector<16xi1>) -> (vector<16xi1>, vector<16xf32>, vector<16xi32>)
      %mul3A_287 = arith.constant 32 : i32
      %mul3A_288 = arith.muli %mul3A_287, %add3A_238 : i32
      %swap3A_289 = arith.index_cast %mul3A_288 : i32 to index
      %swap3A_290 = tpu.vector_load %arg10[%swap3A_289] {strides = array<i32>} : memref<576xf32, #tpu.memory_space<vmem>>, vector<16xf32>,
      tpu.vector_store %arg10[%swap3A_289], %masked_sort3A_279 {strides = array<i32>} : memref<576xf32, #tpu.memory_space<vmem>>, vector<16xf32>,
      %mul3A_291 = arith.constant 32 : i32
      %mul3A_292 = arith.muli %mul3A_291, %add3A_238 : i32
      %add3A_293 = arith.constant 16 : i32
      %add3A_294 = arith.addi %mul3A_292, %add3A_293 : i32
      %swap3A_295 = arith.index_cast %add3A_294 : i32 to index
      %swap3A_296 = tpu.vector_load %arg10[%swap3A_295] {strides = array<i32>} : memref<576xf32, #tpu.memory_space<vmem>>, vector<16xf32>,
      tpu.vector_store %arg10[%swap3A_295], %masked_sort3A_285 {strides = array<i32>} : memref<576xf32, #tpu.memory_space<vmem>>, vector<16xf32>,
      %scan3A_297 = arith.constant 1 : i32
      %get3A_298 = arith.constant 0 : index
      %get3A_299 = tpu.vector_load %arg10[%get3A_298] {strides = array<i32>} : memref<576xf32, #tpu.memory_space<vmem>>, vector<16xf32>,
      %get3A_300 = arith.constant 16 : index
      %get3A_301 = tpu.vector_load %arg10[%get3A_300] {strides = array<i32>} : memref<576xf32, #tpu.memory_space<vmem>>, vector<16xf32>,
      %eq3A_302 = arith.constant 7 : i32
      %eq3A_303 = vector.broadcast %eq3A_302 : i32 to vector<16xi32>
      %eq3A_304 = arith.cmpi eq, %iota3A, %eq3A_303 : vector<16xi32>
      %jit3A_305 = arith.constant -3.000000e+38 : f32
      %broadcast_in_dim3A_306 = vector.broadcast %jit3A_305 : f32 to vector<16xf32>
      %select_n3A_307 = arith.select %eq3A_304, %get3A_301, %broadcast_in_dim3A_306 : vector<16xi1>, vector<16xf32>
      %reduce_max3A_308 = arith.constant true
      %reduce_max3A_309 = vector.broadcast %reduce_max3A_308 : i1 to vector<16xi1>
      %reduce_max3A_310 = tpu.scan <max>, %select_n3A_307 masked %reduce_max3A_309 : vector<16xf32>, vector<16xi1> -> vector<16xf32>
      %reduce_max3A_311 = vector.extract %reduce_max3A_310[15] : f32 from vector<16xf32>
      %add3A_312 = vector.broadcast %reduce_max3A_311 : f32 to vector<16xf32>
      %add3A_313 = arith.addf %broadcast_in_dim3A_3, %add3A_312 : vector<16xf32>
      %gt3A = arith.cmpf ogt, %get3A_299, %add3A_313 : vector<16xf32>
      %all_reduce_population_count3A = tpu.all_reduce %gt3A {dim = 0 : i64, kind = #tpu.reduction_kind<sum>} : vector<16xi1> -> vector<16xi32>
      %gt3A_314 = arith.cmpf ogt, %get3A_301, %add3A_313 : vector<16xf32>
      %all_reduce_population_count3A_315 = tpu.all_reduce %gt3A_314 {dim = 0 : i64, kind = #tpu.reduction_kind<sum>} : vector<16xi1> -> vector<16xi32>
      %add3A_316 = arith.addi %all_reduce_population_count3A, %all_reduce_population_count3A_315 : vector<16xi32>
      %broadcast_in_dim3A_317 = arith.constant 24 : i32
      %broadcast_in_dim3A_318 = vector.broadcast %broadcast_in_dim3A_317 : i32 to vector<16xi32>
      %sub3A = arith.subi %broadcast_in_dim3A_318, %add3A_316 : vector<16xi32>
      %broadcast_in_dim3A_319 = arith.constant 0 : i32
      %broadcast_in_dim3A_320 = vector.broadcast %broadcast_in_dim3A_319 : i32 to vector<16xi32>
      %scan3A_321 = arith.constant 0 : i32
      %scan3A_322 = arith.constant 36 : i32
      %scan3A_323 = arith.addi %scan3A_321, %scan3A_322 : i32
      %scan3A_324 = arith.constant 1 : i32
      %scan3A_325 = scf.for %scan3A_545 = %scan3A_321 to %scan3A_323 step %scan3A_324 iter_args(%scan3A_546 = %broadcast_in_dim3A_320) -> (vector<16xi32>)  : i32 {
        %mul3A_547 = arith.constant 1 : i32
        %mul3A_548 = arith.muli %scan3A_545, %mul3A_547 : i32
        %add3A_549 = arith.constant 0 : i32
        %add3A_550 = arith.addi %add3A_549, %mul3A_548 : i32
        %mul3A_551 = arith.constant 16 : i32
        %mul3A_552 = arith.muli %mul3A_551, %add3A_550 : i32
        %add3A_553 = arith.addi %mul3A_129, %mul3A_552 : i32
        %get3A_554 = arith.index_cast %add3A_553 : i32 to index
        %get3A_555 = tpu.vector_load %arg6[%get3A_554] {strides = array<i32>} : memref<2304xf32, #tpu.memory_space<vmem>>, vector<16xf32>,
        %gt3A_556 = arith.cmpf ogt, %get3A_555, %add3A_313 : vector<16xf32>
        %eq3A_557 = arith.cmpf oeq, %get3A_555, %add3A_313 : vector<16xf32>
        %jit3A_558 = arith.constant 1 : i32
        %jit3A_559 = arith.constant 0 : i32
        %broadcast_in_dim3A_560 = vector.broadcast %jit3A_558 : i32 to vector<16xi32>
        %broadcast_in_dim3A_561 = vector.broadcast %jit3A_559 : i32 to vector<16xi32>
        %select_n3A_562 = arith.select %eq3A_557, %broadcast_in_dim3A_560, %broadcast_in_dim3A_561 : vector<16xi1>, vector<16xi32>
        %cumsum3A = arith.constant true
        %cumsum3A_563 = vector.broadcast %cumsum3A : i1 to vector<16xi1>
        %cumsum3A_564 = tpu.scan <sum>, %select_n3A_562 masked %cumsum3A_563 : vector<16xi32>, vector<16xi1> -> vector<16xi32>
        %add3A_565 = arith.addi %cumsum3A_564, %scan3A_546 : vector<16xi32>
        %le3A = arith.cmpi sle, %add3A_565, %sub3A : vector<16xi32>
        %and3A_566 = arith.andi %eq3A_557, %le3A : vector<16xi1>
        %or3A = arith.ori %gt3A_556, %and3A_566 : vector<16xi1>
        %jit3A_567 = arith.constant 1.000000e+00 : f32
        %jit3A_568 = arith.constant 0.000000e+00 : f32
        %broadcast_in_dim3A_569 = vector.broadcast %jit3A_567 : f32 to vector<16xf32>
        %broadcast_in_dim3A_570 = vector.broadcast %jit3A_568 : f32 to vector<16xf32>
        %select_n3A_571 = arith.select %or3A, %broadcast_in_dim3A_569, %broadcast_in_dim3A_570 : vector<16xi1>, vector<16xf32>
        %mul3A_572 = arith.constant 16 : i32
        %mul3A_573 = arith.muli %mul3A_572, %add3A_550 : i32
        %add3A_574 = arith.constant 16 : i32
        %add3A_575 = arith.addi %add3A_574, %mul3A_573 : i32
        %swap3A_576 = arith.index_cast %add3A_575 : i32 to index
        %swap3A_577 = tpu.vector_load %arg7[%swap3A_576] {strides = array<i32>} : memref<608xf32, #tpu.memory_space<vmem>>, vector<16xf32>,
        tpu.vector_store %arg7[%swap3A_576], %select_n3A_571 {strides = array<i32>} : memref<608xf32, #tpu.memory_space<vmem>>, vector<16xf32>,
        %all_reduce_population_count3A_578 = tpu.all_reduce %eq3A_557 {dim = 0 : i64, kind = #tpu.reduction_kind<sum>} : vector<16xi1> -> vector<16xi32>
        %add3A_579 = arith.addi %scan3A_546, %all_reduce_population_count3A_578 : vector<16xi32>
        scf.yield %add3A_579 : vector<16xi32>
      }
      %scan3A_326 = arith.constant 36 : i32
      %scan3A_327 = arith.constant 0 : i32
      %scan3A_328 = arith.constant 36 : i32
      %scan3A_329 = arith.addi %scan3A_327, %scan3A_328 : i32
      %scan3A_330 = arith.constant 1 : i32
      scf.for %scan3A_545 = %scan3A_327 to %scan3A_329 step %scan3A_330  : i32 {
        %mul3A_546 = arith.constant 1 : i32
        %mul3A_547 = arith.muli %scan3A_545, %mul3A_546 : i32
        %add3A_548 = arith.constant 0 : i32
        %add3A_549 = arith.addi %add3A_548, %mul3A_547 : i32
        %mul3A_550 = arith.constant 16 : i32
        %mul3A_551 = arith.muli %mul3A_550, %add3A_549 : i32
        %add3A_552 = arith.constant 15 : i32
        %add3A_553 = arith.addi %add3A_552, %mul3A_551 : i32
        %get3A_554 = arith.index_cast %add3A_553 : i32 to index
        %get3A_555 = tpu.vector_load %arg7[%get3A_554] {strides = array<i32>} : memref<608xf32, #tpu.memory_space<vmem>>, vector<16xf32>,
        %mul3A_556 = arith.mulf %add3A_12, %get3A_555 : vector<16xf32>
        %add3A_557 = arith.constant 1 : i32
        %add3A_558 = arith.addi %add3A_553, %add3A_557 : i32
        %get3A_559 = arith.index_cast %add3A_558 : i32 to index
        %get3A_560 = tpu.vector_load %arg7[%get3A_559] {strides = array<i32>} : memref<608xf32, #tpu.memory_space<vmem>>, vector<16xf32>,
        %mul3A_561 = arith.mulf %add3A_24, %get3A_560 : vector<16xf32>
        %add3A_562 = arith.addf %mul3A_556, %mul3A_561 : vector<16xf32>
        %add3A_563 = arith.constant 2 : i32
        %add3A_564 = arith.addi %add3A_553, %add3A_563 : i32
        %get3A_565 = arith.index_cast %add3A_564 : i32 to index
        %get3A_566 = tpu.vector_load %arg7[%get3A_565] {strides = array<i32>} : memref<608xf32, #tpu.memory_space<vmem>>, vector<16xf32>,
        %mul3A_567 = arith.mulf %add3A_36, %get3A_566 : vector<16xf32>
        %add3A_568 = arith.addf %add3A_562, %mul3A_567 : vector<16xf32>
        %add3A_569 = arith.constant 3 : i32
        %add3A_570 = arith.addi %add3A_553, %add3A_569 : i32
        %get3A_571 = arith.index_cast %add3A_570 : i32 to index
        %get3A_572 = tpu.vector_load %arg7[%get3A_571] {strides = array<i32>} : memref<608xf32, #tpu.memory_space<vmem>>, vector<16xf32>,
        %mul3A_573 = arith.mulf %add3A_48, %get3A_572 : vector<16xf32>
        %add3A_574 = arith.addf %add3A_568, %mul3A_573 : vector<16xf32>
        %add3A_575 = arith.constant 4 : i32
        %add3A_576 = arith.addi %add3A_553, %add3A_575 : i32
        %get3A_577 = arith.index_cast %add3A_576 : i32 to index
        %get3A_578 = tpu.vector_load %arg7[%get3A_577] {strides = array<i32>} : memref<608xf32, #tpu.memory_space<vmem>>, vector<16xf32>,
        %mul3A_579 = arith.mulf %add3A_60, %get3A_578 : vector<16xf32>
        %add3A_580 = arith.addf %add3A_574, %mul3A_579 : vector<16xf32>
        %add3A_581 = arith.constant 5 : i32
        %add3A_582 = arith.addi %add3A_553, %add3A_581 : i32
        %get3A_583 = arith.index_cast %add3A_582 : i32 to index
        %get3A_584 = tpu.vector_load %arg7[%get3A_583] {strides = array<i32>} : memref<608xf32, #tpu.memory_space<vmem>>, vector<16xf32>,
        %mul3A_585 = arith.mulf %add3A_72, %get3A_584 : vector<16xf32>
        %add3A_586 = arith.addf %add3A_580, %mul3A_585 : vector<16xf32>
        %add3A_587 = arith.constant 6 : i32
        %add3A_588 = arith.addi %add3A_553, %add3A_587 : i32
        %get3A_589 = arith.index_cast %add3A_588 : i32 to index
        %get3A_590 = tpu.vector_load %arg7[%get3A_589] {strides = array<i32>} : memref<608xf32, #tpu.memory_space<vmem>>, vector<16xf32>,
        %mul3A_591 = arith.mulf %add3A_84, %get3A_590 : vector<16xf32>
        %add3A_592 = arith.addf %add3A_586, %mul3A_591 : vector<16xf32>
        %add3A_593 = arith.constant 7 : i32
        %add3A_594 = arith.addi %add3A_553, %add3A_593 : i32
        %get3A_595 = arith.index_cast %add3A_594 : i32 to index
        %get3A_596 = tpu.vector_load %arg7[%get3A_595] {strides = array<i32>} : memref<608xf32, #tpu.memory_space<vmem>>, vector<16xf32>,
        %mul3A_597 = arith.mulf %add3A_96, %get3A_596 : vector<16xf32>
        %add3A_598 = arith.addf %add3A_592, %mul3A_597 : vector<16xf32>
        %add3A_599 = arith.constant 8 : i32
        %add3A_600 = arith.addi %add3A_553, %add3A_599 : i32
        %get3A_601 = arith.index_cast %add3A_600 : i32 to index
        %get3A_602 = tpu.vector_load %arg7[%get3A_601] {strides = array<i32>} : memref<608xf32, #tpu.memory_space<vmem>>, vector<16xf32>,
        %mul3A_603 = arith.mulf %add3A_108, %get3A_602 : vector<16xf32>
        %add3A_604 = arith.addf %add3A_598, %mul3A_603 : vector<16xf32>
        %mul3A_605 = arith.constant 16 : i32
        %mul3A_606 = arith.muli %mul3A_605, %add3A_549 : i32
        %add3A_607 = arith.addi %mul3A_129, %mul3A_606 : i32
        %swap3A_608 = arith.index_cast %add3A_607 : i32 to index
        %swap3A_609 = tpu.vector_load %arg8[%swap3A_608] {strides = array<i32>} : memref<2304xf32, #tpu.memory_space<vmem>>, vector<16xf32>,
        tpu.vector_store %arg8[%swap3A_608], %add3A_604 {strides = array<i32>} : memref<2304xf32, #tpu.memory_space<vmem>>, vector<16xf32>,
        %mul3A_610 = arith.constant 16 : i32
        %mul3A_611 = arith.muli %mul3A_610, %add3A_549 : i32
        %add3A_612 = vector.broadcast %mul3A_611 : i32 to vector<16xi32>
        %add3A_613 = arith.addi %iota3A, %add3A_612 : vector<16xi32>
        %convert_element_type3A = arith.fptosi %add3A_604 : vector<16xf32> to vector<16xi32>
        %shift_left3A = arith.constant 10 : i32
        %shift_left3A_614 = vector.broadcast %shift_left3A : i32 to vector<16xi32>
        %shift_left3A_615 = arith.shli %convert_element_type3A, %shift_left3A_614 : vector<16xi32>
        %sub3A_616 = arith.constant 1023 : i32
        %sub3A_617 = vector.broadcast %sub3A_616 : i32 to vector<16xi32>
        %sub3A_618 = arith.subi %sub3A_617, %add3A_613 : vector<16xi32>
        %add3A_619 = arith.addi %shift_left3A_615, %sub3A_618 : vector<16xi32>
        %lt3A = arith.constant 571 : i32
        %lt3A_620 = vector.broadcast %lt3A : i32 to vector<16xi32>
        %lt3A_621 = arith.cmpi slt, %add3A_613, %lt3A_620 : vector<16xi32>
        %jit3A_622 = arith.constant -1 : i32
        %broadcast_in_dim3A_623 = vector.broadcast %jit3A_622 : i32 to vector<16xi32>
        %select_n3A_624 = arith.select %lt3A_621, %add3A_619, %broadcast_in_dim3A_623 : vector<16xi1>, vector<16xi32>
        %mul3A_625 = arith.constant 16 : i32
        %mul3A_626 = arith.muli %mul3A_625, %add3A_549 : i32
        %swap3A_627 = arith.index_cast %mul3A_626 : i32 to index
        %swap3A_628 = tpu.vector_load %arg9[%swap3A_627] {strides = array<i32>} : memref<576xi32, #tpu.memory_space<vmem>>, vector<16xi32>,
        tpu.vector_store %arg9[%swap3A_627], %select_n3A_624 {strides = array<i32>} : memref<576xi32, #tpu.memory_space<vmem>>, vector<16xi32>,
      }
      %scan3A_331 = arith.constant 36 : i32
      %scan3A_332 = arith.constant 0 : i32
      %scan3A_333 = arith.constant 18 : i32
      %scan3A_334 = arith.addi %scan3A_332, %scan3A_333 : i32
      %scan3A_335 = arith.constant 1 : i32
      scf.for %scan3A_545 = %scan3A_332 to %scan3A_334 step %scan3A_335  : i32 {
        %mul3A_546 = arith.constant 1 : i32
        %mul3A_547 = arith.muli %scan3A_545, %mul3A_546 : i32
        %add3A_548 = arith.constant 0 : i32
        %add3A_549 = arith.addi %add3A_548, %mul3A_547 : i32
        %mul3A_550 = arith.constant 32 : i32
        %mul3A_551 = arith.muli %mul3A_550, %add3A_549 : i32
        %add3A_552 = arith.constant 0 : i32
        %add3A_553 = arith.addi %add3A_552, %mul3A_551 : i32
        %get3A_554 = arith.index_cast %add3A_553 : i32 to index
        %get3A_555 = tpu.vector_load %arg9[%get3A_554] {strides = array<i32>} : memref<576xi32, #tpu.memory_space<vmem>>, vector<16xi32>,
        %broadcast_in_dim3A_556 = arith.constant 0 : i32
        %broadcast_in_dim3A_557 = vector.broadcast %broadcast_in_dim3A_556 : i32 to vector<16xi32>
        %masked_sort3A_558 = arith.constant dense<true> : vector<16xi1>
        %masked_sort3A_559 = arith.constant -2147483648 : i32
        %masked_sort3A_560 = vector.broadcast %masked_sort3A_559 : i32 to vector<16xi32>
        %masked_sort3A_561 = arith.xori %get3A_555, %masked_sort3A_560 : vector<16xi32>
        %masked_sort3A_562, %masked_sort3A_563, %masked_sort3A_564 = tpu.sort %masked_sort3A_561, %broadcast_in_dim3A_557 masked %masked_sort3A_558 {descending = true} : (vector<16xi32>, vector<16xi32>, vector<16xi1>) -> (vector<16xi1>, vector<16xi32>, vector<16xi32>)
        %masked_sort3A_565 = arith.xori %masked_sort3A_563, %masked_sort3A_560 : vector<16xi32>
        %mul3A_566 = arith.constant 32 : i32
        %mul3A_567 = arith.muli %mul3A_566, %add3A_549 : i32
        %add3A_568 = arith.constant 0 : i32
        %add3A_569 = arith.addi %add3A_568, %mul3A_567 : i32
        %add3A_570 = arith.constant 16 : i32
        %add3A_571 = arith.addi %add3A_569, %add3A_570 : i32
        %get3A_572 = arith.index_cast %add3A_571 : i32 to index
        %get3A_573 = tpu.vector_load %arg9[%get3A_572] {strides = array<i32>} : memref<576xi32, #tpu.memory_space<vmem>>, vector<16xi32>,
        %broadcast_in_dim3A_574 = arith.constant 0 : i32
        %broadcast_in_dim3A_575 = vector.broadcast %broadcast_in_dim3A_574 : i32 to vector<16xi32>
        %masked_sort3A_576 = arith.constant dense<true> : vector<16xi1>
        %masked_sort3A_577 = arith.constant -2147483648 : i32
        %masked_sort3A_578 = vector.broadcast %masked_sort3A_577 : i32 to vector<16xi32>
        %masked_sort3A_579 = arith.xori %get3A_573, %masked_sort3A_578 : vector<16xi32>
        %masked_sort3A_580, %masked_sort3A_581, %masked_sort3A_582 = tpu.sort %masked_sort3A_579, %broadcast_in_dim3A_575 masked %masked_sort3A_576 {descending = true} : (vector<16xi32>, vector<16xi32>, vector<16xi1>) -> (vector<16xi1>, vector<16xi32>, vector<16xi32>)
        %masked_sort3A_583 = arith.xori %masked_sort3A_581, %masked_sort3A_578 : vector<16xi32>
        %rev3A_584 = arith.constant 15 : i32
        %rev3A_585 = vector.broadcast %rev3A_584 : i32 to vector<16xi32>
        %rev3A_586 = tpu.iota {dimensions = array<i32: 0>} : vector<16xi32>
        %rev3A_587 = arith.subi %rev3A_585, %rev3A_586 : vector<16xi32>
        %rev3A_588 = tpu.dynamic_gather %masked_sort3A_583[%rev3A_587] in [0] : vector<16xi32>, vector<16xi32> -> vector<16xi32>
        %max3A_589 = arith.maxsi %masked_sort3A_565, %rev3A_588 : vector<16xi32>
        %min3A_590 = arith.minsi %masked_sort3A_565, %rev3A_588 : vector<16xi32>
        %broadcast_in_dim3A_591 = arith.constant 0 : i32
        %broadcast_in_dim3A_592 = vector.broadcast %broadcast_in_dim3A_591 : i32 to vector<16xi32>
        %masked_sort3A_593 = arith.constant dense<true> : vector<16xi1>
        %masked_sort3A_594 = arith.constant -2147483648 : i32
        %masked_sort3A_595 = vector.broadcast %masked_sort3A_594 : i32 to vector<16xi32>
        %masked_sort3A_596 = arith.xori %max3A_589, %masked_sort3A_595 : vector<16xi32>
        %masked_sort3A_597, %masked_sort3A_598, %masked_sort3A_599 = tpu.sort %masked_sort3A_596, %broadcast_in_dim3A_592 masked %masked_sort3A_593 {descending = true} : (vector<16xi32>, vector<16xi32>, vector<16xi1>) -> (vector<16xi1>, vector<16xi32>, vector<16xi32>)
        %masked_sort3A_600 = arith.xori %masked_sort3A_598, %masked_sort3A_595 : vector<16xi32>
        %broadcast_in_dim3A_601 = arith.constant 0 : i32
        %broadcast_in_dim3A_602 = vector.broadcast %broadcast_in_dim3A_601 : i32 to vector<16xi32>
        %masked_sort3A_603 = arith.constant dense<true> : vector<16xi1>
        %masked_sort3A_604 = arith.constant -2147483648 : i32
        %masked_sort3A_605 = vector.broadcast %masked_sort3A_604 : i32 to vector<16xi32>
        %masked_sort3A_606 = arith.xori %min3A_590, %masked_sort3A_605 : vector<16xi32>
        %masked_sort3A_607, %masked_sort3A_608, %masked_sort3A_609 = tpu.sort %masked_sort3A_606, %broadcast_in_dim3A_602 masked %masked_sort3A_603 {descending = true} : (vector<16xi32>, vector<16xi32>, vector<16xi1>) -> (vector<16xi1>, vector<16xi32>, vector<16xi32>)
        %masked_sort3A_610 = arith.xori %masked_sort3A_608, %masked_sort3A_605 : vector<16xi32>
        %mul3A_611 = arith.constant 32 : i32
        %mul3A_612 = arith.muli %mul3A_611, %add3A_549 : i32
        %swap3A_613 = arith.index_cast %mul3A_612 : i32 to index
        %swap3A_614 = tpu.vector_load %arg11[%swap3A_613] {strides = array<i32>} : memref<576xi32, #tpu.memory_space<vmem>>, vector<16xi32>,
        tpu.vector_store %arg11[%swap3A_613], %masked_sort3A_600 {strides = array<i32>} : memref<576xi32, #tpu.memory_space<vmem>>, vector<16xi32>,
        %mul3A_615 = arith.constant 32 : i32
        %mul3A_616 = arith.muli %mul3A_615, %add3A_549 : i32
        %add3A_617 = arith.constant 16 : i32
        %add3A_618 = arith.addi %mul3A_616, %add3A_617 : i32
        %swap3A_619 = arith.index_cast %add3A_618 : i32 to index
        %swap3A_620 = tpu.vector_load %arg11[%swap3A_619] {strides = array<i32>} : memref<576xi32, #tpu.memory_space<vmem>>, vector<16xi32>,
        tpu.vector_store %arg11[%swap3A_619], %masked_sort3A_610 {strides = array<i32>} : memref<576xi32, #tpu.memory_space<vmem>>, vector<16xi32>,
      }
      %scan3A_336 = arith.constant 18 : i32
      %scan3A_337 = arith.constant 0 : i32
      %scan3A_338 = arith.constant 9 : i32
      %scan3A_339 = arith.addi %scan3A_337, %scan3A_338 : i32
      %scan3A_340 = arith.constant 1 : i32
      scf.for %scan3A_545 = %scan3A_337 to %scan3A_339 step %scan3A_340  : i32 {
        %mul3A_546 = arith.constant 1 : i32
        %mul3A_547 = arith.muli %scan3A_545, %mul3A_546 : i32
        %add3A_548 = arith.constant 0 : i32
        %add3A_549 = arith.addi %add3A_548, %mul3A_547 : i32
        %mul3A_550 = arith.constant 64 : i32
        %mul3A_551 = arith.muli %mul3A_550, %add3A_549 : i32
        %get3A_552 = arith.index_cast %mul3A_551 : i32 to index
        %get3A_553 = tpu.vector_load %arg11[%get3A_552] {strides = array<i32>} : memref<576xi32, #tpu.memory_space<vmem>>, vector<16xi32>,
        %mul3A_554 = arith.constant 64 : i32
        %mul3A_555 = arith.muli %mul3A_554, %add3A_549 : i32
        %add3A_556 = arith.constant 16 : i32
        %add3A_557 = arith.addi %mul3A_555, %add3A_556 : i32
        %get3A_558 = arith.index_cast %add3A_557 : i32 to index
        %get3A_559 = tpu.vector_load %arg11[%get3A_558] {strides = array<i32>} : memref<576xi32, #tpu.memory_space<vmem>>, vector<16xi32>,
        %mul3A_560 = arith.constant 64 : i32
        %mul3A_561 = arith.muli %mul3A_560, %add3A_549 : i32
        %add3A_562 = arith.constant 32 : i32
        %add3A_563 = arith.addi %mul3A_561, %add3A_562 : i32
        %get3A_564 = arith.index_cast %add3A_563 : i32 to index
        %get3A_565 = tpu.vector_load %arg11[%get3A_564] {strides = array<i32>} : memref<576xi32, #tpu.memory_space<vmem>>, vector<16xi32>,
        %mul3A_566 = arith.constant 64 : i32
        %mul3A_567 = arith.muli %mul3A_566, %add3A_549 : i32
        %add3A_568 = arith.constant 48 : i32
        %add3A_569 = arith.addi %mul3A_567, %add3A_568 : i32
        %get3A_570 = arith.index_cast %add3A_569 : i32 to index
        %get3A_571 = tpu.vector_load %arg11[%get3A_570] {strides = array<i32>} : memref<576xi32, #tpu.memory_space<vmem>>, vector<16xi32>,
        %rev3A_572 = arith.constant 15 : i32
        %rev3A_573 = vector.broadcast %rev3A_572 : i32 to vector<16xi32>
        %rev3A_574 = tpu.iota {dimensions = array<i32: 0>} : vector<16xi32>
        %rev3A_575 = arith.subi %rev3A_573, %rev3A_574 : vector<16xi32>
        %rev3A_576 = tpu.dynamic_gather %get3A_571[%rev3A_575] in [0] : vector<16xi32>, vector<16xi32> -> vector<16xi32>
        %max3A_577 = arith.maxsi %get3A_553, %rev3A_576 : vector<16xi32>
        %rev3A_578 = arith.constant 15 : i32
        %rev3A_579 = vector.broadcast %rev3A_578 : i32 to vector<16xi32>
        %rev3A_580 = tpu.iota {dimensions = array<i32: 0>} : vector<16xi32>
        %rev3A_581 = arith.subi %rev3A_579, %rev3A_580 : vector<16xi32>
        %rev3A_582 = tpu.dynamic_gather %get3A_565[%rev3A_581] in [0] : vector<16xi32>, vector<16xi32> -> vector<16xi32>
        %max3A_583 = arith.maxsi %get3A_559, %rev3A_582 : vector<16xi32>
        %max3A_584 = arith.maxsi %max3A_577, %max3A_583 : vector<16xi32>
        %min3A_585 = arith.minsi %max3A_577, %max3A_583 : vector<16xi32>
        %broadcast_in_dim3A_586 = arith.constant 0 : i32
        %broadcast_in_dim3A_587 = vector.broadcast %broadcast_in_dim3A_586 : i32 to vector<16xi32>
        %masked_sort3A_588 = arith.constant dense<true> : vector<16xi1>
        %masked_sort3A_589 = arith.constant -2147483648 : i32
        %masked_sort3A_590 = vector.broadcast %masked_sort3A_589 : i32 to vector<16xi32>
        %masked_sort3A_591 = arith.xori %max3A_584, %masked_sort3A_590 : vector<16xi32>
        %masked_sort3A_592, %masked_sort3A_593, %masked_sort3A_594 = tpu.sort %masked_sort3A_591, %broadcast_in_dim3A_587 masked %masked_sort3A_588 {descending = true} : (vector<16xi32>, vector<16xi32>, vector<16xi1>) -> (vector<16xi1>, vector<16xi32>, vector<16xi32>)
        %masked_sort3A_595 = arith.xori %masked_sort3A_593, %masked_sort3A_590 : vector<16xi32>
        %broadcast_in_dim3A_596 = arith.constant 0 : i32
        %broadcast_in_dim3A_597 = vector.broadcast %broadcast_in_dim3A_596 : i32 to vector<16xi32>
        %masked_sort3A_598 = arith.constant dense<true> : vector<16xi1>
        %masked_sort3A_599 = arith.constant -2147483648 : i32
        %masked_sort3A_600 = vector.broadcast %masked_sort3A_599 : i32 to vector<16xi32>
        %masked_sort3A_601 = arith.xori %min3A_585, %masked_sort3A_600 : vector<16xi32>
        %masked_sort3A_602, %masked_sort3A_603, %masked_sort3A_604 = tpu.sort %masked_sort3A_601, %broadcast_in_dim3A_597 masked %masked_sort3A_598 {descending = true} : (vector<16xi32>, vector<16xi32>, vector<16xi1>) -> (vector<16xi1>, vector<16xi32>, vector<16xi32>)
        %masked_sort3A_605 = arith.xori %masked_sort3A_603, %masked_sort3A_600 : vector<16xi32>
        %mul3A_606 = arith.constant 32 : i32
        %mul3A_607 = arith.muli %mul3A_606, %add3A_549 : i32
        %swap3A_608 = arith.index_cast %mul3A_607 : i32 to index
        %swap3A_609 = tpu.vector_load %arg11[%swap3A_608] {strides = array<i32>} : memref<576xi32, #tpu.memory_space<vmem>>, vector<16xi32>,
        tpu.vector_store %arg11[%swap3A_608], %masked_sort3A_595 {strides = array<i32>} : memref<576xi32, #tpu.memory_space<vmem>>, vector<16xi32>,
        %mul3A_610 = arith.constant 32 : i32
        %mul3A_611 = arith.muli %mul3A_610, %add3A_549 : i32
        %add3A_612 = arith.constant 16 : i32
        %add3A_613 = arith.addi %mul3A_611, %add3A_612 : i32
        %swap3A_614 = arith.index_cast %add3A_613 : i32 to index
        %swap3A_615 = tpu.vector_load %arg11[%swap3A_614] {strides = array<i32>} : memref<576xi32, #tpu.memory_space<vmem>>, vector<16xi32>,
        tpu.vector_store %arg11[%swap3A_614], %masked_sort3A_605 {strides = array<i32>} : memref<576xi32, #tpu.memory_space<vmem>>, vector<16xi32>,
      }
      %scan3A_341 = arith.constant 9 : i32
      %scan3A_342 = arith.constant 0 : i32
      %scan3A_343 = arith.constant 4 : i32
      %scan3A_344 = arith.addi %scan3A_342, %scan3A_343 : i32
      %scan3A_345 = arith.constant 1 : i32
      scf.for %scan3A_545 = %scan3A_342 to %scan3A_344 step %scan3A_345  : i32 {
        %mul3A_546 = arith.constant 1 : i32
        %mul3A_547 = arith.muli %scan3A_545, %mul3A_546 : i32
        %add3A_548 = arith.constant 0 : i32
        %add3A_549 = arith.addi %add3A_548, %mul3A_547 : i32
        %mul3A_550 = arith.constant 64 : i32
        %mul3A_551 = arith.muli %mul3A_550, %add3A_549 : i32
        %get3A_552 = arith.index_cast %mul3A_551 : i32 to index
        %get3A_553 = tpu.vector_load %arg11[%get3A_552] {strides = array<i32>} : memref<576xi32, #tpu.memory_space<vmem>>, vector<16xi32>,
        %mul3A_554 = arith.constant 64 : i32
        %mul3A_555 = arith.muli %mul3A_554, %add3A_549 : i32
        %add3A_556 = arith.constant 16 : i32
        %add3A_557 = arith.addi %mul3A_555, %add3A_556 : i32
        %get3A_558 = arith.index_cast %add3A_557 : i32 to index
        %get3A_559 = tpu.vector_load %arg11[%get3A_558] {strides = array<i32>} : memref<576xi32, #tpu.memory_space<vmem>>, vector<16xi32>,
        %mul3A_560 = arith.constant 64 : i32
        %mul3A_561 = arith.muli %mul3A_560, %add3A_549 : i32
        %add3A_562 = arith.constant 32 : i32
        %add3A_563 = arith.addi %mul3A_561, %add3A_562 : i32
        %get3A_564 = arith.index_cast %add3A_563 : i32 to index
        %get3A_565 = tpu.vector_load %arg11[%get3A_564] {strides = array<i32>} : memref<576xi32, #tpu.memory_space<vmem>>, vector<16xi32>,
        %mul3A_566 = arith.constant 64 : i32
        %mul3A_567 = arith.muli %mul3A_566, %add3A_549 : i32
        %add3A_568 = arith.constant 48 : i32
        %add3A_569 = arith.addi %mul3A_567, %add3A_568 : i32
        %get3A_570 = arith.index_cast %add3A_569 : i32 to index
        %get3A_571 = tpu.vector_load %arg11[%get3A_570] {strides = array<i32>} : memref<576xi32, #tpu.memory_space<vmem>>, vector<16xi32>,
        %rev3A_572 = arith.constant 15 : i32
        %rev3A_573 = vector.broadcast %rev3A_572 : i32 to vector<16xi32>
        %rev3A_574 = tpu.iota {dimensions = array<i32: 0>} : vector<16xi32>
        %rev3A_575 = arith.subi %rev3A_573, %rev3A_574 : vector<16xi32>
        %rev3A_576 = tpu.dynamic_gather %get3A_571[%rev3A_575] in [0] : vector<16xi32>, vector<16xi32> -> vector<16xi32>
        %max3A_577 = arith.maxsi %get3A_553, %rev3A_576 : vector<16xi32>
        %rev3A_578 = arith.constant 15 : i32
        %rev3A_579 = vector.broadcast %rev3A_578 : i32 to vector<16xi32>
        %rev3A_580 = tpu.iota {dimensions = array<i32: 0>} : vector<16xi32>
        %rev3A_581 = arith.subi %rev3A_579, %rev3A_580 : vector<16xi32>
        %rev3A_582 = tpu.dynamic_gather %get3A_565[%rev3A_581] in [0] : vector<16xi32>, vector<16xi32> -> vector<16xi32>
        %max3A_583 = arith.maxsi %get3A_559, %rev3A_582 : vector<16xi32>
        %max3A_584 = arith.maxsi %max3A_577, %max3A_583 : vector<16xi32>
        %min3A_585 = arith.minsi %max3A_577, %max3A_583 : vector<16xi32>
        %broadcast_in_dim3A_586 = arith.constant 0 : i32
        %broadcast_in_dim3A_587 = vector.broadcast %broadcast_in_dim3A_586 : i32 to vector<16xi32>
        %masked_sort3A_588 = arith.constant dense<true> : vector<16xi1>
        %masked_sort3A_589 = arith.constant -2147483648 : i32
        %masked_sort3A_590 = vector.broadcast %masked_sort3A_589 : i32 to vector<16xi32>
        %masked_sort3A_591 = arith.xori %max3A_584, %masked_sort3A_590 : vector<16xi32>
        %masked_sort3A_592, %masked_sort3A_593, %masked_sort3A_594 = tpu.sort %masked_sort3A_591, %broadcast_in_dim3A_587 masked %masked_sort3A_588 {descending = true} : (vector<16xi32>, vector<16xi32>, vector<16xi1>) -> (vector<16xi1>, vector<16xi32>, vector<16xi32>)
        %masked_sort3A_595 = arith.xori %masked_sort3A_593, %masked_sort3A_590 : vector<16xi32>
        %broadcast_in_dim3A_596 = arith.constant 0 : i32
        %broadcast_in_dim3A_597 = vector.broadcast %broadcast_in_dim3A_596 : i32 to vector<16xi32>
        %masked_sort3A_598 = arith.constant dense<true> : vector<16xi1>
        %masked_sort3A_599 = arith.constant -2147483648 : i32
        %masked_sort3A_600 = vector.broadcast %masked_sort3A_599 : i32 to vector<16xi32>
        %masked_sort3A_601 = arith.xori %min3A_585, %masked_sort3A_600 : vector<16xi32>
        %masked_sort3A_602, %masked_sort3A_603, %masked_sort3A_604 = tpu.sort %masked_sort3A_601, %broadcast_in_dim3A_597 masked %masked_sort3A_598 {descending = true} : (vector<16xi32>, vector<16xi32>, vector<16xi1>) -> (vector<16xi1>, vector<16xi32>, vector<16xi32>)
        %masked_sort3A_605 = arith.xori %masked_sort3A_603, %masked_sort3A_600 : vector<16xi32>
        %mul3A_606 = arith.constant 32 : i32
        %mul3A_607 = arith.muli %mul3A_606, %add3A_549 : i32
        %swap3A_608 = arith.index_cast %mul3A_607 : i32 to index
        %swap3A_609 = tpu.vector_load %arg11[%swap3A_608] {strides = array<i32>} : memref<576xi32, #tpu.memory_space<vmem>>, vector<16xi32>,
        tpu.vector_store %arg11[%swap3A_608], %masked_sort3A_595 {strides = array<i32>} : memref<576xi32, #tpu.memory_space<vmem>>, vector<16xi32>,
        %mul3A_610 = arith.constant 32 : i32
        %mul3A_611 = arith.muli %mul3A_610, %add3A_549 : i32
        %add3A_612 = arith.constant 16 : i32
        %add3A_613 = arith.addi %mul3A_611, %add3A_612 : i32
        %swap3A_614 = arith.index_cast %add3A_613 : i32 to index
        %swap3A_615 = tpu.vector_load %arg11[%swap3A_614] {strides = array<i32>} : memref<576xi32, #tpu.memory_space<vmem>>, vector<16xi32>,
        tpu.vector_store %arg11[%swap3A_614], %masked_sort3A_605 {strides = array<i32>} : memref<576xi32, #tpu.memory_space<vmem>>, vector<16xi32>,
      }
      %scan3A_346 = arith.constant 4 : i32
      %get3A_347 = arith.constant 256 : index
      %get3A_348 = tpu.vector_load %arg11[%get3A_347] {strides = array<i32>} : memref<576xi32, #tpu.memory_space<vmem>>, vector<16xi32>,
      %get3A_349 = arith.constant 272 : index
      %get3A_350 = tpu.vector_load %arg11[%get3A_349] {strides = array<i32>} : memref<576xi32, #tpu.memory_space<vmem>>, vector<16xi32>,
      %swap3A_351 = arith.constant 128 : index
      %swap3A_352 = tpu.vector_load %arg11[%swap3A_351] {strides = array<i32>} : memref<576xi32, #tpu.memory_space<vmem>>, vector<16xi32>,
      tpu.vector_store %arg11[%swap3A_351], %get3A_348 {strides = array<i32>} : memref<576xi32, #tpu.memory_space<vmem>>, vector<16xi32>,
      %swap3A_353 = arith.constant 144 : index
      %swap3A_354 = tpu.vector_load %arg11[%swap3A_353] {strides = array<i32>} : memref<576xi32, #tpu.memory_space<vmem>>, vector<16xi32>,
      tpu.vector_store %arg11[%swap3A_353], %get3A_350 {strides = array<i32>} : memref<576xi32, #tpu.memory_space<vmem>>, vector<16xi32>,
      %scan3A_355 = arith.constant 0 : i32
      %scan3A_356 = arith.constant 2 : i32
      %scan3A_357 = arith.addi %scan3A_355, %scan3A_356 : i32
      %scan3A_358 = arith.constant 1 : i32
      scf.for %scan3A_545 = %scan3A_355 to %scan3A_357 step %scan3A_358  : i32 {
        %mul3A_546 = arith.constant 1 : i32
        %mul3A_547 = arith.muli %scan3A_545, %mul3A_546 : i32
        %add3A_548 = arith.constant 0 : i32
        %add3A_549 = arith.addi %add3A_548, %mul3A_547 : i32
        %mul3A_550 = arith.constant 64 : i32
        %mul3A_551 = arith.muli %mul3A_550, %add3A_549 : i32
        %get3A_552 = arith.index_cast %mul3A_551 : i32 to index
        %get3A_553 = tpu.vector_load %arg11[%get3A_552] {strides = array<i32>} : memref<576xi32, #tpu.memory_space<vmem>>, vector<16xi32>,
        %mul3A_554 = arith.constant 64 : i32
        %mul3A_555 = arith.muli %mul3A_554, %add3A_549 : i32
        %add3A_556 = arith.constant 16 : i32
        %add3A_557 = arith.addi %mul3A_555, %add3A_556 : i32
        %get3A_558 = arith.index_cast %add3A_557 : i32 to index
        %get3A_559 = tpu.vector_load %arg11[%get3A_558] {strides = array<i32>} : memref<576xi32, #tpu.memory_space<vmem>>, vector<16xi32>,
        %mul3A_560 = arith.constant 64 : i32
        %mul3A_561 = arith.muli %mul3A_560, %add3A_549 : i32
        %add3A_562 = arith.constant 32 : i32
        %add3A_563 = arith.addi %mul3A_561, %add3A_562 : i32
        %get3A_564 = arith.index_cast %add3A_563 : i32 to index
        %get3A_565 = tpu.vector_load %arg11[%get3A_564] {strides = array<i32>} : memref<576xi32, #tpu.memory_space<vmem>>, vector<16xi32>,
        %mul3A_566 = arith.constant 64 : i32
        %mul3A_567 = arith.muli %mul3A_566, %add3A_549 : i32
        %add3A_568 = arith.constant 48 : i32
        %add3A_569 = arith.addi %mul3A_567, %add3A_568 : i32
        %get3A_570 = arith.index_cast %add3A_569 : i32 to index
        %get3A_571 = tpu.vector_load %arg11[%get3A_570] {strides = array<i32>} : memref<576xi32, #tpu.memory_space<vmem>>, vector<16xi32>,
        %rev3A_572 = arith.constant 15 : i32
        %rev3A_573 = vector.broadcast %rev3A_572 : i32 to vector<16xi32>
        %rev3A_574 = tpu.iota {dimensions = array<i32: 0>} : vector<16xi32>
        %rev3A_575 = arith.subi %rev3A_573, %rev3A_574 : vector<16xi32>
        %rev3A_576 = tpu.dynamic_gather %get3A_571[%rev3A_575] in [0] : vector<16xi32>, vector<16xi32> -> vector<16xi32>
        %max3A_577 = arith.maxsi %get3A_553, %rev3A_576 : vector<16xi32>
        %rev3A_578 = arith.constant 15 : i32
        %rev3A_579 = vector.broadcast %rev3A_578 : i32 to vector<16xi32>
        %rev3A_580 = tpu.iota {dimensions = array<i32: 0>} : vector<16xi32>
        %rev3A_581 = arith.subi %rev3A_579, %rev3A_580 : vector<16xi32>
        %rev3A_582 = tpu.dynamic_gather %get3A_565[%rev3A_581] in [0] : vector<16xi32>, vector<16xi32> -> vector<16xi32>
        %max3A_583 = arith.maxsi %get3A_559, %rev3A_582 : vector<16xi32>
        %max3A_584 = arith.maxsi %max3A_577, %max3A_583 : vector<16xi32>
        %min3A_585 = arith.minsi %max3A_577, %max3A_583 : vector<16xi32>
        %broadcast_in_dim3A_586 = arith.constant 0 : i32
        %broadcast_in_dim3A_587 = vector.broadcast %broadcast_in_dim3A_586 : i32 to vector<16xi32>
        %masked_sort3A_588 = arith.constant dense<true> : vector<16xi1>
        %masked_sort3A_589 = arith.constant -2147483648 : i32
        %masked_sort3A_590 = vector.broadcast %masked_sort3A_589 : i32 to vector<16xi32>
        %masked_sort3A_591 = arith.xori %max3A_584, %masked_sort3A_590 : vector<16xi32>
        %masked_sort3A_592, %masked_sort3A_593, %masked_sort3A_594 = tpu.sort %masked_sort3A_591, %broadcast_in_dim3A_587 masked %masked_sort3A_588 {descending = true} : (vector<16xi32>, vector<16xi32>, vector<16xi1>) -> (vector<16xi1>, vector<16xi32>, vector<16xi32>)
        %masked_sort3A_595 = arith.xori %masked_sort3A_593, %masked_sort3A_590 : vector<16xi32>
        %broadcast_in_dim3A_596 = arith.constant 0 : i32
        %broadcast_in_dim3A_597 = vector.broadcast %broadcast_in_dim3A_596 : i32 to vector<16xi32>
        %masked_sort3A_598 = arith.constant dense<true> : vector<16xi1>
        %masked_sort3A_599 = arith.constant -2147483648 : i32
        %masked_sort3A_600 = vector.broadcast %masked_sort3A_599 : i32 to vector<16xi32>
        %masked_sort3A_601 = arith.xori %min3A_585, %masked_sort3A_600 : vector<16xi32>
        %masked_sort3A_602, %masked_sort3A_603, %masked_sort3A_604 = tpu.sort %masked_sort3A_601, %broadcast_in_dim3A_597 masked %masked_sort3A_598 {descending = true} : (vector<16xi32>, vector<16xi32>, vector<16xi1>) -> (vector<16xi1>, vector<16xi32>, vector<16xi32>)
        %masked_sort3A_605 = arith.xori %masked_sort3A_603, %masked_sort3A_600 : vector<16xi32>
        %mul3A_606 = arith.constant 32 : i32
        %mul3A_607 = arith.muli %mul3A_606, %add3A_549 : i32
        %swap3A_608 = arith.index_cast %mul3A_607 : i32 to index
        %swap3A_609 = tpu.vector_load %arg11[%swap3A_608] {strides = array<i32>} : memref<576xi32, #tpu.memory_space<vmem>>, vector<16xi32>,
        tpu.vector_store %arg11[%swap3A_608], %masked_sort3A_595 {strides = array<i32>} : memref<576xi32, #tpu.memory_space<vmem>>, vector<16xi32>,
        %mul3A_610 = arith.constant 32 : i32
        %mul3A_611 = arith.muli %mul3A_610, %add3A_549 : i32
        %add3A_612 = arith.constant 16 : i32
        %add3A_613 = arith.addi %mul3A_611, %add3A_612 : i32
        %swap3A_614 = arith.index_cast %add3A_613 : i32 to index
        %swap3A_615 = tpu.vector_load %arg11[%swap3A_614] {strides = array<i32>} : memref<576xi32, #tpu.memory_space<vmem>>, vector<16xi32>,
        tpu.vector_store %arg11[%swap3A_614], %masked_sort3A_605 {strides = array<i32>} : memref<576xi32, #tpu.memory_space<vmem>>, vector<16xi32>,
      }
      %scan3A_359 = arith.constant 2 : i32
      %get3A_360 = arith.constant 128 : index
      %get3A_361 = tpu.vector_load %arg11[%get3A_360] {strides = array<i32>} : memref<576xi32, #tpu.memory_space<vmem>>, vector<16xi32>,
      %get3A_362 = arith.constant 144 : index
      %get3A_363 = tpu.vector_load %arg11[%get3A_362] {strides = array<i32>} : memref<576xi32, #tpu.memory_space<vmem>>, vector<16xi32>,
      %swap3A_364 = arith.constant 64 : index
      %swap3A_365 = tpu.vector_load %arg11[%swap3A_364] {strides = array<i32>} : memref<576xi32, #tpu.memory_space<vmem>>, vector<16xi32>,
      tpu.vector_store %arg11[%swap3A_364], %get3A_361 {strides = array<i32>} : memref<576xi32, #tpu.memory_space<vmem>>, vector<16xi32>,
      %swap3A_366 = arith.constant 80 : index
      %swap3A_367 = tpu.vector_load %arg11[%swap3A_366] {strides = array<i32>} : memref<576xi32, #tpu.memory_space<vmem>>, vector<16xi32>,
      tpu.vector_store %arg11[%swap3A_366], %get3A_363 {strides = array<i32>} : memref<576xi32, #tpu.memory_space<vmem>>, vector<16xi32>,
      %scan3A_368 = arith.constant 0 : i32
      %mul3A_369 = arith.constant 1 : i32
      %mul3A_370 = arith.muli %scan3A_368, %mul3A_369 : i32
      %add3A_371 = arith.constant 0 : i32
      %add3A_372 = arith.addi %add3A_371, %mul3A_370 : i32
      %mul3A_373 = arith.constant 64 : i32
      %mul3A_374 = arith.muli %mul3A_373, %add3A_372 : i32
      %get3A_375 = arith.index_cast %mul3A_374 : i32 to index
      %get3A_376 = tpu.vector_load %arg11[%get3A_375] {strides = array<i32>} : memref<576xi32, #tpu.memory_space<vmem>>, vector<16xi32>,
      %mul3A_377 = arith.constant 64 : i32
      %mul3A_378 = arith.muli %mul3A_377, %add3A_372 : i32
      %add3A_379 = arith.constant 16 : i32
      %add3A_380 = arith.addi %mul3A_378, %add3A_379 : i32
      %get3A_381 = arith.index_cast %add3A_380 : i32 to index
      %get3A_382 = tpu.vector_load %arg11[%get3A_381] {strides = array<i32>} : memref<576xi32, #tpu.memory_space<vmem>>, vector<16xi32>,
      %mul3A_383 = arith.constant 64 : i32
      %mul3A_384 = arith.muli %mul3A_383, %add3A_372 : i32
      %add3A_385 = arith.constant 32 : i32
      %add3A_386 = arith.addi %mul3A_384, %add3A_385 : i32
      %get3A_387 = arith.index_cast %add3A_386 : i32 to index
      %get3A_388 = tpu.vector_load %arg11[%get3A_387] {strides = array<i32>} : memref<576xi32, #tpu.memory_space<vmem>>, vector<16xi32>,
      %mul3A_389 = arith.constant 64 : i32
      %mul3A_390 = arith.muli %mul3A_389, %add3A_372 : i32
      %add3A_391 = arith.constant 48 : i32
      %add3A_392 = arith.addi %mul3A_390, %add3A_391 : i32
      %get3A_393 = arith.index_cast %add3A_392 : i32 to index
      %get3A_394 = tpu.vector_load %arg11[%get3A_393] {strides = array<i32>} : memref<576xi32, #tpu.memory_space<vmem>>, vector<16xi32>,
      %rev3A_395 = arith.constant 15 : i32
      %rev3A_396 = vector.broadcast %rev3A_395 : i32 to vector<16xi32>
      %rev3A_397 = tpu.iota {dimensions = array<i32: 0>} : vector<16xi32>
      %rev3A_398 = arith.subi %rev3A_396, %rev3A_397 : vector<16xi32>
      %rev3A_399 = tpu.dynamic_gather %get3A_394[%rev3A_398] in [0] : vector<16xi32>, vector<16xi32> -> vector<16xi32>
      %max3A_400 = arith.maxsi %get3A_376, %rev3A_399 : vector<16xi32>
      %rev3A_401 = arith.constant 15 : i32
      %rev3A_402 = vector.broadcast %rev3A_401 : i32 to vector<16xi32>
      %rev3A_403 = tpu.iota {dimensions = array<i32: 0>} : vector<16xi32>
      %rev3A_404 = arith.subi %rev3A_402, %rev3A_403 : vector<16xi32>
      %rev3A_405 = tpu.dynamic_gather %get3A_388[%rev3A_404] in [0] : vector<16xi32>, vector<16xi32> -> vector<16xi32>
      %max3A_406 = arith.maxsi %get3A_382, %rev3A_405 : vector<16xi32>
      %max3A_407 = arith.maxsi %max3A_400, %max3A_406 : vector<16xi32>
      %min3A_408 = arith.minsi %max3A_400, %max3A_406 : vector<16xi32>
      %broadcast_in_dim3A_409 = arith.constant 0 : i32
      %broadcast_in_dim3A_410 = vector.broadcast %broadcast_in_dim3A_409 : i32 to vector<16xi32>
      %masked_sort3A_411 = arith.constant dense<true> : vector<16xi1>
      %masked_sort3A_412 = arith.constant -2147483648 : i32
      %masked_sort3A_413 = vector.broadcast %masked_sort3A_412 : i32 to vector<16xi32>
      %masked_sort3A_414 = arith.xori %max3A_407, %masked_sort3A_413 : vector<16xi32>
      %masked_sort3A_415, %masked_sort3A_416, %masked_sort3A_417 = tpu.sort %masked_sort3A_414, %broadcast_in_dim3A_410 masked %masked_sort3A_411 {descending = true} : (vector<16xi32>, vector<16xi32>, vector<16xi1>) -> (vector<16xi1>, vector<16xi32>, vector<16xi32>)
      %masked_sort3A_418 = arith.xori %masked_sort3A_416, %masked_sort3A_413 : vector<16xi32>
      %broadcast_in_dim3A_419 = arith.constant 0 : i32
      %broadcast_in_dim3A_420 = vector.broadcast %broadcast_in_dim3A_419 : i32 to vector<16xi32>
      %masked_sort3A_421 = arith.constant dense<true> : vector<16xi1>
      %masked_sort3A_422 = arith.constant -2147483648 : i32
      %masked_sort3A_423 = vector.broadcast %masked_sort3A_422 : i32 to vector<16xi32>
      %masked_sort3A_424 = arith.xori %min3A_408, %masked_sort3A_423 : vector<16xi32>
      %masked_sort3A_425, %masked_sort3A_426, %masked_sort3A_427 = tpu.sort %masked_sort3A_424, %broadcast_in_dim3A_420 masked %masked_sort3A_421 {descending = true} : (vector<16xi32>, vector<16xi32>, vector<16xi1>) -> (vector<16xi1>, vector<16xi32>, vector<16xi32>)
      %masked_sort3A_428 = arith.xori %masked_sort3A_426, %masked_sort3A_423 : vector<16xi32>
      %mul3A_429 = arith.constant 32 : i32
      %mul3A_430 = arith.muli %mul3A_429, %add3A_372 : i32
      %swap3A_431 = arith.index_cast %mul3A_430 : i32 to index
      %swap3A_432 = tpu.vector_load %arg11[%swap3A_431] {strides = array<i32>} : memref<576xi32, #tpu.memory_space<vmem>>, vector<16xi32>,
      tpu.vector_store %arg11[%swap3A_431], %masked_sort3A_418 {strides = array<i32>} : memref<576xi32, #tpu.memory_space<vmem>>, vector<16xi32>,
      %mul3A_433 = arith.constant 32 : i32
      %mul3A_434 = arith.muli %mul3A_433, %add3A_372 : i32
      %add3A_435 = arith.constant 16 : i32
      %add3A_436 = arith.addi %mul3A_434, %add3A_435 : i32
      %swap3A_437 = arith.index_cast %add3A_436 : i32 to index
      %swap3A_438 = tpu.vector_load %arg11[%swap3A_437] {strides = array<i32>} : memref<576xi32, #tpu.memory_space<vmem>>, vector<16xi32>,
      tpu.vector_store %arg11[%swap3A_437], %masked_sort3A_428 {strides = array<i32>} : memref<576xi32, #tpu.memory_space<vmem>>, vector<16xi32>,
      %scan3A_439 = arith.constant 1 : i32
      %get3A_440 = arith.constant 64 : index
      %get3A_441 = tpu.vector_load %arg11[%get3A_440] {strides = array<i32>} : memref<576xi32, #tpu.memory_space<vmem>>, vector<16xi32>,
      %get3A_442 = arith.constant 80 : index
      %get3A_443 = tpu.vector_load %arg11[%get3A_442] {strides = array<i32>} : memref<576xi32, #tpu.memory_space<vmem>>, vector<16xi32>,
      %swap3A_444 = arith.constant 32 : index
      %swap3A_445 = tpu.vector_load %arg11[%swap3A_444] {strides = array<i32>} : memref<576xi32, #tpu.memory_space<vmem>>, vector<16xi32>,
      tpu.vector_store %arg11[%swap3A_444], %get3A_441 {strides = array<i32>} : memref<576xi32, #tpu.memory_space<vmem>>, vector<16xi32>,
      %swap3A_446 = arith.constant 48 : index
      %swap3A_447 = tpu.vector_load %arg11[%swap3A_446] {strides = array<i32>} : memref<576xi32, #tpu.memory_space<vmem>>, vector<16xi32>,
      tpu.vector_store %arg11[%swap3A_446], %get3A_443 {strides = array<i32>} : memref<576xi32, #tpu.memory_space<vmem>>, vector<16xi32>,
      %scan3A_448 = arith.constant 0 : i32
      %mul3A_449 = arith.constant 1 : i32
      %mul3A_450 = arith.muli %scan3A_448, %mul3A_449 : i32
      %add3A_451 = arith.constant 0 : i32
      %add3A_452 = arith.addi %add3A_451, %mul3A_450 : i32
      %mul3A_453 = arith.constant 64 : i32
      %mul3A_454 = arith.muli %mul3A_453, %add3A_452 : i32
      %get3A_455 = arith.index_cast %mul3A_454 : i32 to index
      %get3A_456 = tpu.vector_load %arg11[%get3A_455] {strides = array<i32>} : memref<576xi32, #tpu.memory_space<vmem>>, vector<16xi32>,
      %mul3A_457 = arith.constant 64 : i32
      %mul3A_458 = arith.muli %mul3A_457, %add3A_452 : i32
      %add3A_459 = arith.constant 16 : i32
      %add3A_460 = arith.addi %mul3A_458, %add3A_459 : i32
      %get3A_461 = arith.index_cast %add3A_460 : i32 to index
      %get3A_462 = tpu.vector_load %arg11[%get3A_461] {strides = array<i32>} : memref<576xi32, #tpu.memory_space<vmem>>, vector<16xi32>,
      %mul3A_463 = arith.constant 64 : i32
      %mul3A_464 = arith.muli %mul3A_463, %add3A_452 : i32
      %add3A_465 = arith.constant 32 : i32
      %add3A_466 = arith.addi %mul3A_464, %add3A_465 : i32
      %get3A_467 = arith.index_cast %add3A_466 : i32 to index
      %get3A_468 = tpu.vector_load %arg11[%get3A_467] {strides = array<i32>} : memref<576xi32, #tpu.memory_space<vmem>>, vector<16xi32>,
      %mul3A_469 = arith.constant 64 : i32
      %mul3A_470 = arith.muli %mul3A_469, %add3A_452 : i32
      %add3A_471 = arith.constant 48 : i32
      %add3A_472 = arith.addi %mul3A_470, %add3A_471 : i32
      %get3A_473 = arith.index_cast %add3A_472 : i32 to index
      %get3A_474 = tpu.vector_load %arg11[%get3A_473] {strides = array<i32>} : memref<576xi32, #tpu.memory_space<vmem>>, vector<16xi32>,
      %rev3A_475 = arith.constant 15 : i32
      %rev3A_476 = vector.broadcast %rev3A_475 : i32 to vector<16xi32>
      %rev3A_477 = tpu.iota {dimensions = array<i32: 0>} : vector<16xi32>
      %rev3A_478 = arith.subi %rev3A_476, %rev3A_477 : vector<16xi32>
      %rev3A_479 = tpu.dynamic_gather %get3A_474[%rev3A_478] in [0] : vector<16xi32>, vector<16xi32> -> vector<16xi32>
      %max3A_480 = arith.maxsi %get3A_456, %rev3A_479 : vector<16xi32>
      %rev3A_481 = arith.constant 15 : i32
      %rev3A_482 = vector.broadcast %rev3A_481 : i32 to vector<16xi32>
      %rev3A_483 = tpu.iota {dimensions = array<i32: 0>} : vector<16xi32>
      %rev3A_484 = arith.subi %rev3A_482, %rev3A_483 : vector<16xi32>
      %rev3A_485 = tpu.dynamic_gather %get3A_468[%rev3A_484] in [0] : vector<16xi32>, vector<16xi32> -> vector<16xi32>
      %max3A_486 = arith.maxsi %get3A_462, %rev3A_485 : vector<16xi32>
      %max3A_487 = arith.maxsi %max3A_480, %max3A_486 : vector<16xi32>
      %min3A_488 = arith.minsi %max3A_480, %max3A_486 : vector<16xi32>
      %broadcast_in_dim3A_489 = arith.constant 0 : i32
      %broadcast_in_dim3A_490 = vector.broadcast %broadcast_in_dim3A_489 : i32 to vector<16xi32>
      %masked_sort3A_491 = arith.constant dense<true> : vector<16xi1>
      %masked_sort3A_492 = arith.constant -2147483648 : i32
      %masked_sort3A_493 = vector.broadcast %masked_sort3A_492 : i32 to vector<16xi32>
      %masked_sort3A_494 = arith.xori %max3A_487, %masked_sort3A_493 : vector<16xi32>
      %masked_sort3A_495, %masked_sort3A_496, %masked_sort3A_497 = tpu.sort %masked_sort3A_494, %broadcast_in_dim3A_490 masked %masked_sort3A_491 {descending = true} : (vector<16xi32>, vector<16xi32>, vector<16xi1>) -> (vector<16xi1>, vector<16xi32>, vector<16xi32>)
      %masked_sort3A_498 = arith.xori %masked_sort3A_496, %masked_sort3A_493 : vector<16xi32>
      %broadcast_in_dim3A_499 = arith.constant 0 : i32
      %broadcast_in_dim3A_500 = vector.broadcast %broadcast_in_dim3A_499 : i32 to vector<16xi32>
      %masked_sort3A_501 = arith.constant dense<true> : vector<16xi1>
      %masked_sort3A_502 = arith.constant -2147483648 : i32
      %masked_sort3A_503 = vector.broadcast %masked_sort3A_502 : i32 to vector<16xi32>
      %masked_sort3A_504 = arith.xori %min3A_488, %masked_sort3A_503 : vector<16xi32>
      %masked_sort3A_505, %masked_sort3A_506, %masked_sort3A_507 = tpu.sort %masked_sort3A_504, %broadcast_in_dim3A_500 masked %masked_sort3A_501 {descending = true} : (vector<16xi32>, vector<16xi32>, vector<16xi1>) -> (vector<16xi1>, vector<16xi32>, vector<16xi32>)
      %masked_sort3A_508 = arith.xori %masked_sort3A_506, %masked_sort3A_503 : vector<16xi32>
      %mul3A_509 = arith.constant 32 : i32
      %mul3A_510 = arith.muli %mul3A_509, %add3A_452 : i32
      %swap3A_511 = arith.index_cast %mul3A_510 : i32 to index
      %swap3A_512 = tpu.vector_load %arg11[%swap3A_511] {strides = array<i32>} : memref<576xi32, #tpu.memory_space<vmem>>, vector<16xi32>,
      tpu.vector_store %arg11[%swap3A_511], %masked_sort3A_498 {strides = array<i32>} : memref<576xi32, #tpu.memory_space<vmem>>, vector<16xi32>,
      %mul3A_513 = arith.constant 32 : i32
      %mul3A_514 = arith.muli %mul3A_513, %add3A_452 : i32
      %add3A_515 = arith.constant 16 : i32
      %add3A_516 = arith.addi %mul3A_514, %add3A_515 : i32
      %swap3A_517 = arith.index_cast %add3A_516 : i32 to index
      %swap3A_518 = tpu.vector_load %arg11[%swap3A_517] {strides = array<i32>} : memref<576xi32, #tpu.memory_space<vmem>>, vector<16xi32>,
      tpu.vector_store %arg11[%swap3A_517], %masked_sort3A_508 {strides = array<i32>} : memref<576xi32, #tpu.memory_space<vmem>>, vector<16xi32>,
      %scan3A_519 = arith.constant 1 : i32
      %get3A_520 = arith.constant 0 : index
      %get3A_521 = tpu.vector_load %arg11[%get3A_520] {strides = array<i32>} : memref<576xi32, #tpu.memory_space<vmem>>, vector<16xi32>,
      %get3A_522 = arith.constant 16 : index
      %get3A_523 = tpu.vector_load %arg11[%get3A_522] {strides = array<i32>} : memref<576xi32, #tpu.memory_space<vmem>>, vector<16xi32>,
      %and3A = arith.constant 1023 : i32
      %and3A_524 = vector.broadcast %and3A : i32 to vector<16xi32>
      %and3A_525 = arith.andi %get3A_521, %and3A_524 : vector<16xi32>
      %sub3A_526 = arith.constant 1024 : i32
      %sub3A_527 = vector.broadcast %sub3A_526 : i32 to vector<16xi32>
      %sub3A_528 = arith.subi %sub3A_527, %and3A_525 : vector<16xi32>
      %mul3A_529 = arith.constant 32 : i32
      %mul3A_530 = arith.muli %add3A_124, %mul3A_529 : i32
      %swap3A_531 = arith.index_cast %mul3A_530 : i32 to index
      %swap3A_532 = tpu.vector_load %arg13[%swap3A_531] {strides = array<i32>} : memref<128xi32, #tpu.memory_space<vmem>>, vector<16xi32>,
      tpu.vector_store %arg13[%swap3A_531], %sub3A_528 {strides = array<i32>} : memref<128xi32, #tpu.memory_space<vmem>>, vector<16xi32>,
      %and3A_533 = arith.constant 1023 : i32
      %and3A_534 = vector.broadcast %and3A_533 : i32 to vector<16xi32>
      %and3A_535 = arith.andi %get3A_523, %and3A_534 : vector<16xi32>
      %sub3A_536 = arith.constant 1024 : i32
      %sub3A_537 = vector.broadcast %sub3A_536 : i32 to vector<16xi32>
      %sub3A_538 = arith.subi %sub3A_537, %and3A_535 : vector<16xi32>
      %mul3A_539 = arith.constant 32 : i32
      %mul3A_540 = arith.muli %add3A_124, %mul3A_539 : i32
      %add3A_541 = arith.constant 16 : i32
      %add3A_542 = arith.addi %mul3A_540, %add3A_541 : i32
      %swap3A_543 = arith.index_cast %add3A_542 : i32 to index
      %swap3A_544 = tpu.vector_load %arg13[%swap3A_543] {strides = array<i32>} : memref<128xi32, #tpu.memory_space<vmem>>, vector<16xi32>,
      tpu.vector_store %arg13[%swap3A_543], %sub3A_538 {strides = array<i32>} : memref<128xi32, #tpu.memory_space<vmem>>, vector<16xi32>,
    }
    %scan3A_115 = arith.constant 4 : i32
    %mul3A_116 = arith.constant 128 : i32
    %mul3A_117 = arith.muli %add3A, %mul3A_116 : i32
    "tpu.region"() ({
      %run_scoped3A = tpu.sem_alloc : memref<!tpu.dma_semaphore, #tpu.memory_space<semaphore_mem>>
      %dma_start3A = tpu.memref_slice %arg4[%mul3A_117] : memref<4096xi32, #tpu.memory_space<hbm>> -> memref<128xi32, #tpu.memory_space<hbm>>
      %dma_start3A_120 = tpu.memref_slice %arg4[%mul3A_117] : memref<4096xi32, #tpu.memory_space<hbm>> -> memref<128xi32, #tpu.memory_space<hbm>>
      tpu.enqueue_dma source(%arg13 : memref<128xi32, #tpu.memory_space<vmem>>) target(%dma_start3A_120 : memref<128xi32, #tpu.memory_space<hbm>>) target_semaphore(%run_scoped3A : memref<!tpu.dma_semaphore, #tpu.memory_space<semaphore_mem>>)
      %dma_wait3A = tpu.memref_slice %arg4[%mul3A_117] : memref<4096xi32, #tpu.memory_space<hbm>> -> memref<128xi32, #tpu.memory_space<hbm>>
      %dma_wait3A_121 = tpu.memref_slice %arg4[%mul3A_117] : memref<4096xi32, #tpu.memory_space<hbm>> -> memref<128xi32, #tpu.memory_space<hbm>>
      tpu.wait_dma2 semaphore(%run_scoped3A : memref<!tpu.dma_semaphore, #tpu.memory_space<semaphore_mem>>) src(%arg13 : memref<128xi32, #tpu.memory_space<vmem>>) dst(%dma_wait3A_121 : memref<128xi32, #tpu.memory_space<hbm>>)
      tpu.yield
    }) : () -> ()
    %mul3A_118 = arith.constant 2304 : i32
    %mul3A_119 = arith.muli %add3A, %mul3A_118 : i32
    "tpu.region"() ({
      %run_scoped3A = tpu.sem_alloc : memref<!tpu.dma_semaphore, #tpu.memory_space<semaphore_mem>>
      %dma_start3A = tpu.memref_slice %arg5[%mul3A_119] : memref<73728xf32, #tpu.memory_space<hbm>> -> memref<2304xf32, #tpu.memory_space<hbm>>
      %dma_start3A_120 = tpu.memref_slice %arg5[%mul3A_119] : memref<73728xf32, #tpu.memory_space<hbm>> -> memref<2304xf32, #tpu.memory_space<hbm>>
      tpu.enqueue_dma source(%arg8 : memref<2304xf32, #tpu.memory_space<vmem>>) target(%dma_start3A_120 : memref<2304xf32, #tpu.memory_space<hbm>>) target_semaphore(%run_scoped3A : memref<!tpu.dma_semaphore, #tpu.memory_space<semaphore_mem>>)
      %dma_wait3A = tpu.memref_slice %arg5[%mul3A_119] : memref<73728xf32, #tpu.memory_space<hbm>> -> memref<2304xf32, #tpu.memory_space<hbm>>
      %dma_wait3A_121 = tpu.memref_slice %arg5[%mul3A_119] : memref<73728xf32, #tpu.memory_space<hbm>> -> memref<2304xf32, #tpu.memory_space<hbm>>
      tpu.wait_dma2 semaphore(%run_scoped3A : memref<!tpu.dma_semaphore, #tpu.memory_space<semaphore_mem>>) src(%arg8 : memref<2304xf32, #tpu.memory_space<vmem>>) dst(%dma_wait3A_121 : memref<2304xf32, #tpu.memory_space<hbm>>)
      tpu.yield
    }) : () -> ()
    return
  }
}

</mosaic_0001>

<sc_bundles>
// kernel: kernel.4.cloned.1.call-start
scs
__scs_entry_jumppad:
0x0: {  	(pc) =	sbr.rel $0x88, $3  }
0x1: {  	(tag) =	ssettag $0x0;
	lr =	simm.s32 $0x1  }
0x2: {  	[smem:$0x3F9F] =	sst lr;
	_ =	strace $0xD0000000  }
0x3: {  	_ = 	snop  }
0x4: {  	_ = 	snop  }
0x5: {  	_ = 	snop  }
0x6: {  	_ = 	snop  }
0x7: {  	_ = 	snop  }
__scs_overlays_trampoline_lowered:
0x8: {  	[smem:$0x3FAE] =	sst s0  }
0x9: {  	[smem:$0x3FAF] =	sst s1  }
0xa: {  	[smem:$0x3FB0] =	sst s2  }
0xb: {  	[smem:$0x3FB1] =	sst s3  }
0xc: {  	[smem:$0x3FB2] =	sst s4  }
0xd: {  	[smem:$0x3FB3] =	sst s5  }
0xe: {  	[smem:$0x3FB4] =	sst s6  }
0xf: {  	[smem:$0x3FB5] =	sst s7  }
0x10: {  	[smem:$0x3FB6] =	sst s8  }
0x11: {  	[smem:$0x3FB7] =	sst s9;
	s0 =	simm.s32 @!p0 $0x0  }
0x12: {  	s1 =	sld [smem:$0x3F9D];
	s0 =	simm.s32 @p0 $0x1  }
0x13: {  	[smem:$0x3FB8] =	sst s0;
	s0 =	simm.s32 @!p1 $0x0  }
0x14: {  	s2 =	sld [smem:$0x3F9C];
	s0 =	simm.s32 @p1 $0x1  }
0x15: {  	[smem:$0x3FB9] =	sst s0;
	s0 =	simm.s32 @!p2 $0x0  }
0x16: {  	s3 =	sld [smem:$0x3FDB];
	s0 =	simm.s32 @p2 $0x1  }
0x17: {  	s4 =	simm.s32 $0x1BF5;
	[smem:$0x3FBB] =	sst s0  }
0x18: {  	s0 =	sld [smem:$0x3F9E];
	_ =	swait.ge [sflag:s4], $0x0  }
0x19: {  	s7 =	sld [smem:$0x3F9F]  }
0x1a: {  	s8 =	sadd.s32 $0xFFFFE003, lr  }
0x1b: {  	s9 =	sadd.s32 $0xFFFFFEF7, lr;
	s5 =	simm.s32 $0xFFFFFFFF;
	p2 =	slt.u32 s8, $0xFFFFF086  }
0x1c: {  	p1 =	slt.u32 s9, $0xF7A;
	s5 =	simm.s32 @!p2 $0x0  }
0x1d: {  	s5 =	simm.s32 @p1 $0x1;
	p0 =	seq.s32 s7, s2  }
0x1e: {  	s7 =	smul.u32 @!p0 $0xF7A, s2;
	p2 =	seq.s32 @!p0 s5, $0x0  }
0x1f: {  	s9 =	smul.u32 $0xF7A, s1;
	s8 =	simm.s32 @!p0 $0x1BF5;
	p2 =	por !p2, p0  }
0x20: {  	[sflag:s8] =	ssyncset.s32 @!p0 $0xFFFFF086;
	s6 =	sadd.s32 @!p0 s3, s7;
	s7 =	simm.s32 @!p0 $0x108  }
0x21: {  	s3 =	sadd.s32 s3, s9;
	s6 =	sadd.s32 @!p0 $0x88, s6;
	s7 =	simm.s32 @p2 $0x1082  }
0x22: {  	[simem:s7], [sflag:s8] =	dma.local @!p0 [hbm:s6], $0xF7A  }
0x23: {  	s9 =	sor.u32 $0xD0000000, s2;
	s6 =	simm.s32 $0x108;
	_ =	swait.ge @!p0 [sflag:s8], $0x0  }
0x24: {  	s3 =	sadd.s32 $0x88, s3;
	s6 =	simm.s32 @!p1 $0x1082;
	[sflag:s4] =	ssyncset.s32 $0xFFFFF086  }
0x25: {  	[simem:s6], [sflag:s4] =	dma.local [hbm:s3], $0xF7A  }
0x26: {  	[smem:$0x3F9F] =	sst s1;
	(tag) =	ssettag s2;
	_ =	strace s9  }
0x27: {  	s1 =	sld [smem:$0x3FAF]  }
0x28: {  	s2 =	sld [smem:$0x3FB0]  }
0x29: {  	s4 =	sld [smem:$0x3FB2]  }
0x2a: {  	p0 =	seq.s32 s5, $0x0;
	s5 =	sld [smem:$0x3FB3]  }
0x2b: {  	s6 =	sld [smem:$0x3FB4]  }
0x2c: {  	s7 =	sld [smem:$0x3FB5]  }
0x2d: {  	s3 =	simm.s32 $0x108;
	s8 =	sld [smem:$0x3FB6]  }
0x2e: {  	s3 =	simm.s32 @!p0 $0x1082;
	s9 =	sld [smem:$0x3FB7]  }
0x2f: {  	lr =	sadd.s32 s0, s3;
	s0 =	sld [smem:$0x3FAE]  }
0x30: {  	s3 =	sld [smem:$0x3FB1]  }
0x31: {  	[smem:$0x3FBA] =	sst s10  }
0x32: {  	s10 =	sld [smem:$0x3FB8];
	_ =	sdelay $0x3  }
0x33: {  	p0 =	seq.s32 s10, $0x1;
	s10 =	sld [smem:$0x3FBA];
	_ =	sdelay $0x3  }
0x34: {  	[smem:$0x3FBA] =	sst s10  }
0x35: {  	s10 =	sld [smem:$0x3FB9];
	_ =	sdelay $0x3  }
0x36: {  	p1 =	seq.s32 s10, $0x1;
	s10 =	sld [smem:$0x3FBA];
	_ =	sdelay $0x3  }
0x37: {  	[smem:$0x3FBA] =	sst s10  }
0x38: {  	s10 =	sld [smem:$0x3FBB]  }
0x39: {  	_ = 	snop;
	(pc) =	sbr.ind lr, $3  }
0x3a: {  	_ = 	snop  }
0x3b: {  	_ = 	snop  }
0x3c: {  	p2 =	seq.s32 s10, $0x1;
	s10 =	sld [smem:$0x3FBA]  }
0x3d: {  	_ =	shalt  }
0x3e: {  	_ =	shalt  }
0x3f: {  	_ =	shalt  }
0x40: {  	_ =	shalt  }
0x41: {  	_ =	shalt  }
0x42: {  	_ =	shalt  }
0x43: {  	_ =	shalt  }
0x44: {  	_ =	shalt  }
0x45: {  	_ =	shalt  }
0x46: {  	_ =	shalt  }
0x47: {  	_ =	shalt  }
0x48: {  	_ =	shalt  }
0x49: {  	_ =	shalt  }
0x4a: {  	_ =	shalt  }
0x4b: {  	_ =	shalt  }
0x4c: {  	_ =	shalt  }
0x4d: {  	_ =	shalt  }
0x4e: {  	_ =	shalt  }
0x4f: {  	_ =	shalt  }
0x50: {  	_ =	shalt  }
0x51: {  	_ =	shalt  }
0x52: {  	_ =	shalt  }
0x53: {  	_ =	shalt  }
0x54: {  	_ =	shalt  }
0x55: {  	_ =	shalt  }
0x56: {  	_ =	shalt  }
0x57: {  	_ =	shalt  }
0x58: {  	_ =	shalt  }
0x59: {  	_ =	shalt  }
0x5a: {  	_ =	shalt  }
0x5b: {  	_ =	shalt  }
0x5c: {  	_ =	shalt  }
0x5d: {  	_ =	shalt  }
0x5e: {  	_ =	shalt  }
0x5f: {  	_ =	shalt  }
0x60: {  	_ =	shalt  }
0x61: {  	_ =	shalt  }
0x62: {  	_ =	shalt  }
0x63: {  	_ =	shalt  }
0x64: {  	_ =	shalt  }
0x65: {  	_ =	shalt  }
0x66: {  	_ =	shalt  }
0x67: {  	_ =	shalt  }
0x68: {  	_ =	shalt  }
0x69: {  	_ =	shalt  }
0x6a: {  	_ =	shalt  }
0x6b: {  	_ =	shalt  }
0x6c: {  	_ =	shalt  }
0x6d: {  	_ =	shalt  }
0x6e: {  	_ =	shalt  }
0x6f: {  	_ =	shalt  }
0x70: {  	_ =	shalt  }
0x71: {  	_ =	shalt  }
0x72: {  	_ =	shalt  }
0x73: {  	_ =	shalt  }
0x74: {  	_ =	shalt  }
0x75: {  	_ =	shalt  }
0x76: {  	_ =	shalt  }
0x77: {  	_ =	shalt  }
0x78: {  	_ =	shalt  }
0x79: {  	_ =	shalt  }
0x7a: {  	_ =	shalt  }
0x7b: {  	_ =	shalt  }
0x7c: {  	_ =	shalt  }
0x7d: {  	_ =	shalt  }
0x7e: {  	_ =	shalt  }
0x7f: {  	_ =	shalt  }
0x80: {  	_ =	shalt  }
0x81: {  	_ =	shalt  }
0x82: {  	_ =	shalt  }
0x83: {  	_ =	shalt  }
0x84: {  	_ =	shalt  }
0x85: {  	_ =	shalt  }
0x86: {  	_ =	shalt  }
0x87: {  	_ =	shalt  }
.Lfunc_end0:
.L_simem_size_0:
called_computation_lowered:
.L_overlay_start_0:
0x88: {  	s2 =	sld [smem:$0x3FD9]  }
0x89: {  	s3 =	sld [smem:$0x3FFE];
	_ =	sdelay $0x1  }
0x8a: {  	s1 =	srdreg.scid  }
0x8b: {  	s0 =	sand.u32 $0x1, s1  }
0x8c: {  	s14 =	sshll.u32 s0, $0xA;
	s2 =	sadd.s32 s3, s2  }
0x8d: {  	s2 =	sadd.s32 s2, s14  }
0x8e: {  	[smem:$0x3FC6] =	sst s2  }
0x8f: {  	_ = 	snop  }
0x90: {  	s2 =	sld [smem:$0x3FD0];
	_ =	sdelay $0x2  }
0x91: {  	s15 =	simm.s32 $0xA;
	s4 =	simm.s32 $0x10  }
0x92: {  	[smem:s4], [sflag:s15] =	dma.local [hbm:s2], $0x1  }
0x93: {  	_ =	swait.eq [sflag:s15], $0x1  }
0x94: {  	[sflag:s15] =	ssyncset.done $0x0  }
0x95: {  	s16 =	sld [smem:$0x10];
	[sflag:s15] =	ssyncadd.s32 $0xFFFFFFFF  }
0x96: {  	s17 =	sld [smem:$0x11];
	(tm) =	ssettm $0x1  }
0x97: {  	s18 =	sld [smem:$0x3FFB];
	_ =	sdelay $0x3  }
0x98: {  	_ =	strace s18  }
0x99: {  	s4 =	sld [smem:$0x3FFC];
	_ =	sdelay $0x3  }
0x9a: {  	_ =	strace s4  }
0x9b: {  	s4 =	sld [smem:$0x3FFD];
	_ =	sdelay $0x3  }
0x9c: {  	_ =	strace s4  }
0x9d: {  	_ =	strace $0x8FFFFFFF  }
0x9e: {  	s19 =	sld [smem:$0x3FDB];
	_ =	sdelay $0x1  }
0x9f: {  	s5 =	simm.s32 $_scs_section_size  }
0xa0: {  	s6 =	simm.s32 $_size__tile_overlayer_lowered;
	s7 =	simm.s32 $_tile_overlayer_lowered  }
0xa1: {  	s22 =	simm.s32 $0x1BFF;
	s21 =	sshll.u32 s7, $0x1;
	s4 =	sadd.s32 s5, s19  }
0xa2: {  	s8 =	simm.s32 $0x0;
	s20 =	sshll.u32 s6, $0x1;
	s6 =	sadd.s32 s21, s4  }
0xa3: {  	[timem:s8], [sflag:s22] =	dma.local [hbm:s6], s20  }
0xa4: {  	_ =	swait.ge [sflag:s22], s20  }
0xa5: {  	s5 =	ssub.s32 $0x0, s20;
	[sflag:s22] =	ssyncset.done $0x0  }
0xa6: {  	[sflag:s22] =	ssyncadd.s32 s5;
	_ =	sdelay $0x1  }
0xa7: {  	s23 =	simm.s32 $0x1B8B  }
0xa8: {  	_ =	swait.ge [sflag:s23], $0x1  }
0xa9: {  	[sflag:s23] =	ssyncset.done $0x0  }
0xaa: {  	s25 =	simm.s32 $0x1B8E;
	s24 =	sld [smem:$0x3FFE];
	[sflag:s23] =	ssyncadd.s32 $0xFFFFFFFF  }
0xab: {  	s26 =	simm.s32 $execute0_lowered;
	[smem:$0x3FD2] =	sst s25  }
0xac: {  	s6 =	sshll.u32 s26, $0x1;
	_ =	strace $0x80000046;
	[dreg:$0x1] =	wrdreg $0xFFFFFFFF  }
0xad: {  	s28 =	simm.s32 $_size_execute0_lowered;
	s4 =	sadd.s32 s4, s6;
	[dreg:$0x0] =	wrdreg $0x0  }
0xae: {  	s6 =	sshll.u32 s28, $0x1;
	[dreg:$0x2] =	wrdreg s4  }
0xaf: {  	[dreg:$0x3] =	wrdreg s6  }
0xb0: {  	[dreg:$0x4] =	wrdreg $0xC0  }
0xb1: {  	_ =	task [dreg:s8], $0x5FFFF  }
0xb2: {  	[dreg:$0x1] =	wrdreg $0xFFFFFFFF  }
0xb3: {  	[dreg:$0x0] =	wrdreg $0x60  }
0xb4: {  	[dreg:$0x2] =	wrdreg s17  }
0xb5: {  	[dreg:$0x3] =	wrdreg s16  }
0xb6: {  	[dreg:$0x4] =	wrdreg s24  }
0xb7: {  	[dreg:$0x5] =	wrdreg $0x9  }
0xb8: {  	_ =	task.clear_ibuf [dreg:s8], $0x6FFFF;
	_ =	strace $0x90000046  }
0xb9: {  	s29 =	simm.s32 $0x9;
	_ =	strace $0x80000048  }
0xba: {  	_ =	swait.ge [sflag:s29], $0x1  }
0xbb: {  	[sflag:s29] =	ssyncadd.s32 $0xFFFFFFFF  }
0xbc: {  	_ =	strace $0x90000048  }
0xbd: {  	_ =	sfence  }
0xbe: {  	s30 =	sld [smem:$0x0];
	_ =	sdelay $0x2  }
0xbf: {  	s31 =	sshll.u32 s1, $0xD;
	s1 =	sshrl.u32 s1, $0x2  }
0xc0: {  	s3 =	sand.u32 $0x4000, s31;
	s1 =	sadd.s32 s1, s30  }
0xc1: {  	s0 =	sor.u32 s3, s0;
	s1 =	sshll.u32 s1, $0x11  }
0xc2: {  	s0 =	sor.u32 s1, s0  }
0xc3: {  	s0 =	sadd.s32 $0x8F2B, s0  }
0xc4: {  	[sflag:s0] =	ssyncadd.remote.s32 $0x1  }
0xc5: {  	_ =	sfence.sel $0xFFFF  }
0xc6: {  	[dreg:$0x0] =	wrdreg $0xFFFFFFFF;
	(pc) =	sbr.abs _section_cstart, $3  }
0xc7: {  	[dreg:$0x1] =	wrdreg $0xFFFFFFFF  }
0xc8: {  	_ =	task.clear_ibuf [dreg:s8], $0x2FFFF;
	_ =	strace $0x9FFFFFFF  }
0xc9: {  	(tm) =	ssettm $0x7FFFFFFF  }
tec
execute0_lowered:
.L_overlay_start_1:
0x0: {  	(tag) =	ssettag $0x1  }
0x1: {  	s4 =	rddreg [dreg:$0x0];
	s0 =	srdreg.scid  }
0x2: {  	s2 =	rddreg [dreg:$0x1];
	s5 =	sand.u32 $0x1, s0  }
0x3: {  	s6 =	rddreg [dreg:$0x2];
	s1 =	stileid.u32;
	s7 =	sshll.u32 s5, $0x4  }
0x4: {  	s3 =	simm.s32 $0x0;
	s10 =	simm.s32 $0x1C80;
	s7 =	sor.u32 s1, s7  }
0x5: {  	s11 =	simm.s32 $0xB80;
	s12 =	simm.s32 $0x0;
	s8 =	smul.u32 $0x120, s7  }
.Ltmp0:
0x6: {  	vm0 =	vmmov $0x1;
	vm1 =	vcmask $0x308;
	[smem:$0x7FF] =	sst s3;
	s5 =	ssub.s32 $0x2, s5;
	(pc) =	sbr.rel .LBB2_1-.Ltmp0, $4  }
0x7: {  	vm2 =	vcmask $0x70C;
	vm3 =	vcmask $0xB10;
	v0 =	vlaneseq.u32;
	_ =	strace $0x80000047;
	s9 =	sshrl.u32 s5, $0x1;
	s7 =	sshll.u32 s7, $0x4  }
0x8: {  	vm4 =	vcmask $0xF14;
	vm5 =	vcmask $0x1318;
	v0 =	vmul.u32 $0xFFFFFFFF, v0;
	s9 =	ssub.s32 s5, s9;
	s7 =	sadd.s32 s7, s6;
	s6 =	sadd.s32 s8, s6  }
0x9: {  	vm6 =	vcmask $0x171C;
	vm7 =	vcmask $0x1B20;
	vm8 =	vcmask $0x1F24;
	s4 =	sadd.s32 s4, s8;
	s5 =	sadd.s32 $0x800, s7;
	s7 =	smax.u32 s9, $0x1  }
0xa: {  	v1 =	vimm.f32 $0.0e+00;
	v2 =	vimm.s32 $0x0;
	v3 =	vadd.s32 $0xF, v0;
	s8 =	simm.s32 $0x1;
	s9 =	simm.s32 $0x1C00;
	s6 =	sadd.s32 $0xA00, s6  }
.LBB2_27:
0xb: {  	[hbm4b:s5+s3] =	stream.linear.scatter [tilespmem:s10], [sflag:$0x1], $0x80, $0x38;
	[tilespmem:$0x1D00] =	vst v63  }
0xc: {  	s12 =	sadd.s32 $0x1, s12;
	_ =	swait.ge [sflag:s8], $0x80  }
0xd: {  	p0 =	sne.s32 s12, s7;
	[sflag:s8] =	ssyncset.done $0x0  }
.Ltmp1:
0xe: {  	[sflag:s8] =	ssyncadd.s32 $0xFFFFFF80;
	(pc) =	sbr.rel @!p0 .LBB2_28-.Ltmp1, $4  }
0xf: {  	[hbm4b:s6+s3] =	stream.linear.scatter [tilespmem:s11], [sflag:$0x1], $0x900, $0x38;
	[tilespmem:$0x1D00] =	vst v63  }
0x10: {  	_ =	swait.ge [sflag:s8], $0x900  }
0x11: {  	[sflag:s8] =	ssyncset.done $0x0  }
0x12: {  	[sflag:s8] =	ssyncadd.s32 $0xFFFFF700  }
.LBB2_1:
0x13: {  	[tilespmem:s3], [sflag:$0x1] =	stream.linear.gather [hbm4b:s4+s3], $0x900, $0x38;
	[tilespmem:$0x1D00] =	vst v63  }
0x14: {  	_ =	swait.ge [sflag:s8], $0x900  }
0x15: {  	[sflag:s8] =	ssyncset.done $0x0  }
0x16: {  	[sflag:s8] =	ssyncadd.s32 $0xFFFFF700  }
0x17: {  	[tilespmem:s9], [sflag:$0x1] =	stream.linear.gather [hbm4b:s2+s3], $0x80, $0x38;
	[tilespmem:$0x1D00] =	vst v63  }
0x18: {  	_ =	swait.ge [sflag:s8], $0x80  }
0x19: {  	[sflag:s8] =	ssyncset.done $0x0  }
0x1a: {  	[sflag:s8] =	ssyncadd.s32 $0xFFFFFF80  }
0x1b: {  	v4 =	vld [tilespmem:$0x1C00];
	_ =	sdelay $0x4  }
0x1c: {  	v5 =	vnsel vm0, $0xFF61B1E6, v4  }
0x1d: {  	(xrf0) =	vmax.scan.msk.f32 $0xffff, v5;
	v5 =	vsel vm1, $0xFF61B1E6, v4  }
0x1e: {  	(xrf0) =	vmax.scan.msk.f32 $0xffff, v5;
	v5 =	vsel vm2, $0xFF61B1E6, v4  }
0x1f: {  	(xrf0) =	vmax.scan.msk.f32 $0xffff, v5;
	v5 =	vsel vm3, $0xFF61B1E6, v4  }
0x20: {  	(xrf0) =	vmax.scan.msk.f32 $0xffff, v5;
	v5 =	vsel vm4, $0xFF61B1E6, v4  }
0x21: {  	(xrf0) =	vmax.scan.msk.f32 $0xffff, v5;
	v5 =	vsel vm5, $0xFF61B1E6, v4  }
0x22: {  	(xrf0) =	vmax.scan.msk.f32 $0xffff, v5;
	v5 =	vsel vm6, $0xFF61B1E6, v4  }
0x23: {  	v6, _, _ =	vpop (xrf0);
	(xrf0) =	vmax.scan.msk.f32 $0xffff, v5;
	v5 =	vsel vm7, $0xFF61B1E6, v4;
	_ =	sdelay $0x1  }
0x24: {  	v4 =	vsel vm8, $0xFF61B1E6, v4;
	v7, _, _ =	vpop (xrf0);
	(xrf0) =	vmax.scan.msk.f32 $0xffff, v5  }
0x25: {  	v5, _, _ =	vpop (xrf0);
	(xrf0) =	vmax.scan.msk.f32 $0xffff, v4  }
0x26: {  	v8, _, _ =	vpop (xrf0)  }
0x27: {  	v4 =	vadd.f32 $0.0e+00, v6;
	v9, _, _ =	vpop (xrf0)  }
0x28: {  	v6 =	vadd.f32 $0.0e+00, v7;
	v7 =	vadd.f32 $0.0e+00, v5;
	v10, _, _ =	vpop (xrf0)  }
0x29: {  	v4 =	vbroadcast v4, $0xF;
	v8 =	vadd.f32 $0.0e+00, v8;
	v11, _, _ =	vpop (xrf0)  }
0x2a: {  	v5 =	vbroadcast v6, $0xF;
	v6 =	vbroadcast v7, $0xF;
	v9 =	vadd.f32 $0.0e+00, v9;
	v12, _, _ =	vpop (xrf0)  }
0x2b: {  	v7 =	vbroadcast v8, $0xF;
	v10 =	vadd.f32 $0.0e+00, v10;
	v11 =	vadd.f32 $0.0e+00, v11;
	v13, _, _ =	vpop (xrf0)  }
0x2c: {  	v8 =	vbroadcast v9, $0xF;
	v12 =	vadd.f32 $0.0e+00, v12;
	v13 =	vadd.f32 $0.0e+00, v13  }
0x2d: {  	[tilespmem:$0x900] =	vst v1;
	v9 =	vbroadcast v10, $0xF;
	v10 =	vbroadcast v11, $0xF  }
0x2e: {  	s13 =	simm.s32 $0xB80;
	s14 =	simm.s32 $0x0;
	s15 =	simm.s32 $0x0;
	[tilespmem:$0xB50] =	vst v1;
	v11 =	vbroadcast v12, $0xF;
	v12 =	vbroadcast v13, $0xF  }
.LBB2_2:
0x2f: {  	v13 =	vmov s14;
	_ =	sdelay $0x3  }
0x30: {  	s16 =	simm.s32 $0x0;
	s17 =	simm.s32 $0x80  }
.LBB2_3:
0x31: {  	p0 =	sne.s32 s17, $0x880;
	v14 =	vld.idx.msk [tilespmem:v13+s16+$0x10 ss:$0x1], $0xffff;
	_ =	sdelay $0x1  }
0x32: {  	v15 =	vld.idx.msk [tilespmem:v13+s16+$0x0 ss:$0x1], $0xffff;
	_ =	sdelay $0x3  }
0x33: {  	(xrf1) =	vsort.dscd.msk.f32 $0xffff, v14, v2;
	_ =	sdelay $0x1  }
0x34: {  	(xrf1) =	vsort.dscd.msk.f32 $0xffff, v15, v2;
	_ =	sdelay $0xb  }
0x35: {  	v14, _, _ =	vpop (xrf1)  }
0x36: {  	v14 =	vperm.xlane v14, v3  }
0x37: {  	v15, _, _ =	vpop (xrf1)  }
0x38: {  	v16 =	vmax.f32 v15, v14;
	v14 =	vmin.f32 v15, v14  }
0x39: {  	(xrf1) =	vsort.dscd.msk.f32 $0xffff, v14, v2  }
0x3a: {  	(xrf1) =	vsort.dscd.msk.f32 $0xffff, v16, v2;
	_ =	sdelay $0xa  }
.Ltmp2:
0x3b: {  	(pc) =	sbr.rel @p0 .LBB2_3-.Ltmp2, $4  }
0x3c: {  	_ = 	snop  }
0x3d: {  	v14, _, _ =	vpop (xrf1)  }
0x3e: {  	[tilespmem:s16+$0x1710] =	vst v14;
	v14, _, _ =	vpop (xrf1)  }
0x3f: {  	[tilespmem:s16+$0x1700] =	vst v14;
	s16 =	sshra.s32 s17, $0x2;
	s17 =	sadd.s32 $0x80, s17  }
0x40: {  	_ =	sdelay $0x3  }
0x41: {  	v14 =	vld.idx.msk [tilespmem:v13+s16+$0x10 ss:$0x1], $0xffff;
	_ =	sdelay $0x1  }
0x42: {  	v15 =	vld.idx.msk [tilespmem:v13+s16+$0x0 ss:$0x1], $0xffff;
	_ =	sdelay $0x2  }
0x43: {  	(xrf1) =	vsort.dscd.msk.f32 $0xffff, v14, v2;
	_ =	sdelay $0x1  }
0x44: {  	(xrf1) =	vsort.dscd.msk.f32 $0xffff, v15, v2;
	_ =	sdelay $0xb  }
0x45: {  	v14, _, _ =	vpop (xrf1)  }
0x46: {  	v14 =	vperm.xlane v14, v3  }
0x47: {  	v15, _, _ =	vpop (xrf1)  }
0x48: {  	v16 =	vmin.f32 v15, v14  }
0x49: {  	v14 =	vmax.f32 v15, v14;
	(xrf1) =	vsort.dscd.msk.f32 $0xffff, v16, v2  }
0x4a: {  	(xrf1) =	vsort.dscd.msk.f32 $0xffff, v14, v2;
	_ =	sdelay $0xc  }
0x4b: {  	v14, _, _ =	vpop (xrf1)  }
0x4c: {  	[tilespmem:s16+$0x1710] =	vst v14;
	v14, _, _ =	vpop (xrf1)  }
0x4d: {  	[tilespmem:s16+$0x1700] =	vst v14  }
0x4e: {  	v14 =	vld [tilespmem:$0x1700]  }
0x4f: {  	v15 =	vld [tilespmem:$0x1710]  }
0x50: {  	v16 =	vld [tilespmem:$0x1720]  }
0x51: {  	v17 =	vld [tilespmem:$0x1730]  }
0x52: {  	v18 =	vld [tilespmem:$0x1740]  }
0x53: {  	v19 =	vld [tilespmem:$0x1750]  }
0x54: {  	v20 =	vld [tilespmem:$0x1760]  }
0x55: {  	v21 =	vld [tilespmem:$0x1770]  }
0x56: {  	v22 =	vld [tilespmem:$0x1780]  }
0x57: {  	v23 =	vld [tilespmem:$0x1790]  }
0x58: {  	v24 =	vld [tilespmem:$0x17A0]  }
0x59: {  	v25 =	vld [tilespmem:$0x17B0]  }
0x5a: {  	v26 =	vld [tilespmem:$0x17C0]  }
0x5b: {  	v27 =	vld [tilespmem:$0x17D0]  }
0x5c: {  	v28 =	vld [tilespmem:$0x17E0];
	v17 =	vperm.xlane v17, v3;
	v16 =	vperm.xlane v16, v3  }
0x5d: {  	v30 =	vld [tilespmem:$0x1800]  }
0x5e: {  	v31 =	vld [tilespmem:$0x1810];
	v21 =	vperm.xlane v21, v3;
	v17 =	vmax.f32 v14, v17;
	v15 =	vmax.f32 v15, v16  }
0x5f: {  	v39 =	vld [tilespmem:$0x1840];
	v20 =	vperm.xlane v20, v3;
	v14 =	vimm.s32 $0x0;
	v29 =	vmax.f32 v17, v15  }
0x60: {  	v16 =	vld [tilespmem:$0x17F0];
	v15 =	vmin.f32 v17, v15;
	(xrf1) =	vsort.dscd.msk.f32 $0xffff, v29, v14  }
0x61: {  	v41 =	vld [tilespmem:$0x1860];
	(xrf1) =	vsort.dscd.msk.f32 $0xffff, v15, v14;
	v15 =	vmax.f32 v18, v21;
	v18 =	vmax.f32 v19, v20  }
0x62: {  	v43 =	vld [tilespmem:$0x1870];
	v38 =	vperm.xlane v25, v3;
	v24 =	vperm.xlane v24, v3;
	v20 =	vmax.f32 v15, v18  }
0x63: {  	v17 =	vld [tilespmem:$0x1820];
	v15 =	vmin.f32 v15, v18;
	(xrf1) =	vsort.dscd.msk.f32 $0xffff, v20, v14  }
0x64: {  	v40 =	vmax.f32 v23, v24;
	v19 =	vld [tilespmem:$0x1830];
	(xrf1) =	vsort.dscd.msk.f32 $0xffff, v15, v14;
	v15 =	vmax.f32 v22, v38  }
0x65: {  	v44 =	vld [tilespmem:$0x1880];
	v42 =	vperm.xlane v28, v3;
	v16 =	vperm.xlane v16, v3;
	v22 =	vmax.f32 v15, v40  }
0x66: {  	v45 =	vld [tilespmem:$0x1890];
	v15 =	vmin.f32 v15, v40;
	(xrf1) =	vsort.dscd.msk.f32 $0xffff, v22, v14  }
0x67: {  	v46 =	vld [tilespmem:$0x18B0];
	(xrf1) =	vsort.dscd.msk.f32 $0xffff, v15, v14;
	v15 =	vmax.f32 v26, v16;
	v16 =	vmax.f32 v27, v42  }
0x68: {  	v18 =	vld [tilespmem:$0x1850];
	v17 =	vperm.xlane v17, v3;
	v23 =	vmax.f32 v15, v16  }
0x69: {  	v19 =	vperm.xlane v19, v3;
	v15 =	vmin.f32 v15, v16;
	v16 =	vld [tilespmem:$0x18A0];
	(xrf1) =	vsort.dscd.msk.f32 $0xffff, v23, v14  }
0x6a: {  	v48 =	vld [tilespmem:$0x18F0];
	v24 =	vperm.xlane v43, v3;
	(xrf1) =	vsort.dscd.msk.f32 $0xffff, v15, v14  }
0x6b: {  	v21 =	vperm.xlane v41, v3;
	v17 =	vmax.f32 v31, v17;
	v15 =	vmax.f32 v30, v19;
	v19 =	vld [tilespmem:$0x18E0]  }
0x6c: {  	v51 =	vld [tilespmem:$0x18D0];
	v50 =	vperm.xlane v46, v3;
	v49 =	vmax.f32 v39, v24;
	v47 =	vmax.f32 v15, v17  }
0x6d: {  	v18 =	vmax.f32 v18, v21;
	v15 =	vmin.f32 v15, v17;
	v17 =	vld [tilespmem:$0x18C0];
	(xrf1) =	vsort.dscd.msk.f32 $0xffff, v47, v14  }
0x6e: {  	(xrf1) =	vsort.dscd.msk.f32 $0xffff, v15, v14;
	v15 =	vmax.f32 v49, v18;
	v16 =	vperm.xlane v16, v3  }
0x6f: {  	v52 =	vperm.xlane v48, v3;
	v18 =	vmin.f32 v49, v18;
	(xrf1) =	vsort.dscd.msk.f32 $0xffff, v15, v14  }
0x70: {  	v15 =	vmax.f32 v44, v50;
	v16 =	vmax.f32 v45, v16;
	v19 =	vperm.xlane v19, v3  }
0x71: {  	v56 =	vld [tilespmem:$0x1920];
	v53, _, _ =	vpop (xrf1);
	(xrf1) =	vsort.dscd.msk.f32 $0xffff, v18, v14;
	v18 =	vmax.f32 v15, v16;
	v15 =	vmin.f32 v15, v16  }
0x72: {  	v54, _, _ =	vpop (xrf1);
	v16 =	vld [tilespmem:$0x1900];
	v17 =	vmax.f32 v17, v52;
	(xrf1) =	vsort.dscd.msk.f32 $0xffff, v18, v14;
	v18 =	vmax.f32 v51, v19  }
0x73: {  	[tilespmem:$0x1700] =	vst v53;
	v19 =	vld [tilespmem:$0x1910];
	v55, _, _ =	vpop (xrf1);
	(xrf1) =	vsort.dscd.msk.f32 $0xffff, v15, v14;
	v15 =	vmax.f32 v17, v18  }
0x74: {  	[tilespmem:$0x1710] =	vst v54;
	v57, _, _ =	vpop (xrf1);
	v17 =	vmin.f32 v17, v18;
	(xrf1) =	vsort.dscd.msk.f32 $0xffff, v15, v14;
	v15 =	vld [tilespmem:$0x1930]  }
0x75: {  	v63 =	vld [tilespmem:$0x1710];
	[tilespmem:$0x1720] =	vst v55;
	v18, _, _ =	vpop (xrf1);
	(xrf1) =	vsort.dscd.msk.f32 $0xffff, v17, v14  }
0x76: {  	[tilespmem:$0x1730] =	vst v57;
	v59 =	vld [tilespmem:$0x1720];
	v58, _, _ =	vpop (xrf1)  }
0x77: {  	v61 =	vld [tilespmem:$0x1730];
	[tilespmem:$0x1740] =	vst v18;
	v60, _, _ =	vpop (xrf1)  }
0x78: {  	v17 =	vld [tilespmem:$0x1700];
	v62, _, _ =	vpop (xrf1);
	[tilespmem:$0x1760] =	vst v60  }
0x79: {  	v23 =	vperm.xlane v56, v3;
	v15 =	vperm.xlane v15, v3;
	[tilespmem:$0x1770] =	vst v62;
	v30 =	vld [tilespmem:$0x1760]  }
0x7a: {  	[tilespmem:$0x1750] =	vst v58;
	v18 =	vld [tilespmem:$0x1770]  }
0x7b: {  	v32 =	vld [tilespmem:$0x1750];
	v15 =	vmax.f32 v16, v15;
	v16 =	vmax.f32 v19, v23;
	v31, _, _ =	vpop (xrf1)  }
0x7c: {  	v21 =	vperm.xlane v59, v3;
	v24 =	vperm.xlane v61, v3;
	v19 =	vld [tilespmem:$0x1740];
	v23 =	vmax.f32 v15, v16;
	v33, _, _ =	vpop (xrf1)  }
0x7d: {  	v15 =	vmin.f32 v15, v16;
	(xrf1) =	vsort.dscd.msk.f32 $0xffff, v23, v14;
	[tilespmem:$0x1790] =	vst v33  }
0x7e: {  	[tilespmem:$0x1780] =	vst v31;
	v16, _, _ =	vpop (xrf1);
	(xrf1) =	vsort.dscd.msk.f32 $0xffff, v15, v14;
	v15 =	vmax.f32 v17, v24;
	v17 =	vmax.f32 v63, v21;
	v36 =	vld [tilespmem:$0x1790]  }
0x7f: {  	v20 =	vld [tilespmem:$0x1780];
	v34, _, _ =	vpop (xrf1);
	v35 =	vperm.xlane v30, v3;
	v18 =	vperm.xlane v18, v3  }
0x80: {  	v22 =	vmax.f32 v15, v17;
	v15 =	vmin.f32 v15, v17;
	v40 =	vperm.xlane v16, v3;
	v37, _, _ =	vpop (xrf1)  }
0x81: {  	(xrf1) =	vsort.dscd.msk.f32 $0xffff, v22, v14;
	v17, _, _ =	vpop (xrf1);
	v18 =	vmax.f32 v19, v18;
	v19 =	vmax.f32 v32, v35  }
0x82: {  	v38 =	vperm.xlane v34, v3;
	(xrf1) =	vsort.dscd.msk.f32 $0xffff, v15, v14;
	v39, _, _ =	vpop (xrf1);
	v15 =	vmax.f32 v18, v19  }
0x83: {  	v41, _, _ =	vpop (xrf1);
	v18 =	vmin.f32 v18, v19;
	v19 =	vmax.f32 v36, v40;
	v43 =	vperm.xlane v39, v3  }
0x84: {  	(xrf1) =	vsort.dscd.msk.f32 $0xffff, v15, v14;
	v15 =	vmax.f32 v20, v38;
	v42 =	vperm.xlane v41, v3  }
0x85: {  	(xrf1) =	vsort.dscd.msk.f32 $0xffff, v18, v14;
	v18 =	vmax.f32 v15, v19;
	v15 =	vmin.f32 v15, v19  }
0x86: {  	v19 =	vmax.f32 v17, v43;
	(xrf1) =	vsort.dscd.msk.f32 $0xffff, v18, v14;
	v18 =	vmax.f32 v37, v42  }
0x87: {  	(xrf1) =	vsort.dscd.msk.f32 $0xffff, v15, v14;
	v15 =	vmax.f32 v18, v19  }
0x88: {  	v18 =	vmin.f32 v18, v19;
	(xrf1) =	vsort.dscd.msk.f32 $0xffff, v15, v14  }
0x89: {  	(xrf1) =	vsort.dscd.msk.f32 $0xffff, v18, v14;
	_ =	sdelay $0x4  }
0x8a: {  	v18, _, _ =	vpop (xrf1)  }
0x8b: {  	v19, _, _ =	vpop (xrf1)  }
0x8c: {  	v15, _, _ =	vpop (xrf1)  }
0x8d: {  	v44, _, _ =	vpop (xrf1)  }
0x8e: {  	v45, _, _ =	vpop (xrf1)  }
0x8f: {  	v46, _, _ =	vpop (xrf1)  }
0x90: {  	v47, _, _ =	vpop (xrf1)  }
0x91: {  	v22 =	vperm.xlane v45, v3;
	v48, _, _ =	vpop (xrf1)  }
0x92: {  	v24 =	vperm.xlane v46, v3;
	v49, _, _ =	vpop (xrf1)  }
0x93: {  	v20 =	vmax.f32 v44, v22;
	v50, _, _ =	vpop (xrf1)  }
0x94: {  	v15 =	vmax.f32 v15, v24;
	v52 =	vperm.xlane v49, v3;
	v51 =	vperm.xlane v50, v3  }
0x95: {  	v53 =	vmax.f32 v15, v20;
	v15 =	vmin.f32 v15, v20  }
0x96: {  	(xrf1) =	vsort.dscd.msk.f32 $0xffff, v53, v14;
	v55 =	vmax.f32 v48, v52;
	v54 =	vmax.f32 v47, v51  }
0x97: {  	(xrf1) =	vsort.dscd.msk.f32 $0xffff, v15, v14;
	v15 =	vmax.f32 v54, v55  }
0x98: {  	v20 =	vmin.f32 v54, v55;
	(xrf1) =	vsort.dscd.msk.f32 $0xffff, v15, v14  }
0x99: {  	(xrf1) =	vsort.dscd.msk.f32 $0xffff, v20, v14;
	_ =	sdelay $0xa  }
0x9a: {  	v15, _, _ =	vpop (xrf1)  }
0x9b: {  	v56, _, _ =	vpop (xrf1)  }
0x9c: {  	v57, _, _ =	vpop (xrf1)  }
0x9d: {  	v58, _, _ =	vpop (xrf1)  }
0x9e: {  	v22 =	vperm.xlane v57, v3;
	v24 =	vperm.xlane v58, v3;
	_ =	sdelay $0x1  }
0x9f: {  	v20 =	vmax.f32 v56, v22;
	v15 =	vmax.f32 v15, v24  }
0xa0: {  	v22 =	vmax.f32 v15, v20  }
0xa1: {  	v15 =	vmin.f32 v15, v20;
	(xrf1) =	vsort.dscd.msk.f32 $0xffff, v22, v14  }
0xa2: {  	(xrf1) =	vsort.dscd.msk.f32 $0xffff, v15, v14;
	_ =	sdelay $0xc  }
0xa3: {  	v60 =	vperm.xlane v18, v3;
	v59 =	vperm.xlane v19, v3;
	v15, _, _ =	vpop (xrf1)  }
0xa4: {  	v61, _, _ =	vpop (xrf1)  }
0xa5: {  	v15 =	vmax.f32 v15, v59;
	v62 =	vmax.f32 v61, v60  }
0xa6: {  	v22 =	vmax.f32 v15, v62  }
0xa7: {  	v15 =	vmin.f32 v15, v62;
	(xrf1) =	vsort.dscd.msk.f32 $0xffff, v22, v14  }
0xa8: {  	(xrf1) =	vsort.dscd.msk.f32 $0xffff, v15, v14;
	_ =	sdelay $0xc  }
0xa9: {  	v63, _, _ =	vpop (xrf1)  }
0xaa: {  	[tilespmem:$0x17A0] =	vst v16;
	v16, _, _ =	vpop (xrf1)  }
0xab: {  	[tilespmem:$0x17B0] =	vst v34;
	v15 =	vsel vm7, $0xFF61B1E6, v16  }
0xac: {  	[tilespmem:$0x17C0] =	vst v37;
	(xrf0) =	vmax.scan.msk.f32 $0xffff, v15  }
0xad: {  	[tilespmem:$0x17D0] =	vst v17  }
0xae: {  	[tilespmem:$0x17E0] =	vst v39  }
0xaf: {  	[tilespmem:$0x17F0] =	vst v41  }
0xb0: {  	[tilespmem:$0x1800] =	vst v18  }
0xb1: {  	[tilespmem:$0x1780] =	vst v18  }
0xb2: {  	[tilespmem:$0x1740] =	vst v18;
	v15, _, _ =	vpop (xrf0)  }
0xb3: {  	[tilespmem:$0x1720] =	vst v18;
	v15 =	vadd.f32 $0.0e+00, v15  }
0xb4: {  	[tilespmem:$0x1810] =	vst v19  }
0xb5: {  	[tilespmem:$0x1790] =	vst v19;
	v15 =	vbroadcast v15, $0xF  }
0xb6: {  	[tilespmem:$0x1750] =	vst v19  }
0xb7: {  	[tilespmem:$0x1730] =	vst v19;
	vm9 =	vgt.f32 v63, v15;
	vm10 =	vgt.f32 v16, v15  }
0xb8: {  	[tilespmem:$0x1760] =	vst v49;
	v17 =	vmpcnt.ones.xlane vm9;
	v18 =	vmpcnt.ones.xlane vm10  }
0xb9: {  	[tilespmem:$0x1770] =	vst v50  }
0xba: {  	[tilespmem:$0x1700] =	vst v63;
	v17 =	vadd.s32 v18, v17  }
0xbb: {  	s17 =	simm.s32 $0x0;
	s18 =	simm.s32 $0x40;
	s16 =	simm.s32 $0x0;
	[tilespmem:$0x1710] =	vst v16;
	v16 =	vsub.s32 $0x18, v17;
	v17 =	vimm.s32 $0x0  }
.LBB2_5:
0xbc: {  	p0 =	sne.s32 s18, $0x8C0;
	v18 =	vld.idx.msk [tilespmem:v13+s17+$0x0 ss:$0x1], $0xffff;
	_ =	sdelay $0x5  }
0xbd: {  	vm9 =	veq.f32 v18, v15  }
0xbe: {  	v19 =	vsel vm9, $0x1, v2;
	v20 =	vmpcnt.ones.xlane vm9  }
0xbf: {  	(xrf0) =	vadd.scan.msk.s32 $0xffff, v19  }
0xc0: {  	v14 =	vadd.s32 v14, v20;
	_ =	sdelay $0x4  }
0xc1: {  	v19, _, _ =	vpop (xrf0)  }
0xc2: {  	v19 =	vadd.s32 v17, v19;
	v17 =	vmov v14  }
.Ltmp3:
0xc3: {  	vm10 =	vle.s32 v19, v16;
	(pc) =	sbr.rel @p0 .LBB2_5-.Ltmp3, $4  }
0xc4: {  	vm11 =	vgt.f32 v18, v15;
	vm9 =	vmand vm9, vm10  }
0xc5: {  	vm9 =	vmor vm11, vm9  }
0xc6: {  	v18 =	vsel vm9, $0x3F800000, v1  }
0xc7: {  	[tilespmem:s17+$0x910] =	vst v18;
	s17 =	sshra.s32 s18, $0x2;
	s18 =	sadd.s32 $0x40, s18  }
0xc8: {  	_ =	sdelay $0x3  }
0xc9: {  	v13 =	vld.idx.msk [tilespmem:v13+s17+$0x0 ss:$0x1], $0xffff;
	_ =	sdelay $0x4  }
0xca: {  	vm9 =	veq.f32 v13, v15  }
0xcb: {  	v14 =	vsel vm9, $0x1, v2  }
0xcc: {  	(xrf0) =	vadd.scan.msk.s32 $0xffff, v14;
	_ =	sdelay $0x5  }
0xcd: {  	v14, _, _ =	vpop (xrf0)  }
0xce: {  	v14 =	vadd.s32 v17, v14  }
0xcf: {  	vm10 =	vle.s32 v14, v16  }
0xd0: {  	vm11 =	vgt.f32 v13, v15;
	vm9 =	vmand vm9, vm10  }
0xd1: {  	vm9 =	vmor vm11, vm9  }
0xd2: {  	v13 =	vsel vm9, $0x3F800000, v1  }
0xd3: {  	s31 =	simm.s32 $0x917;
	[tilespmem:s17+$0x910] =	vst v13  }
0xd4: {  	v13 =	vld [tilespmem:s31+$0xFFFFFFF8]  }
0xd5: {  	v14 =	vld [tilespmem:s31+$0xFFFFFFF9];
	_ =	sdelay $0x1  }
0xd6: {  	v15 =	vld [tilespmem:s31+$0xFFFFFFFA];
	_ =	sdelay $0x1  }
0xd7: {  	v16 =	vld [tilespmem:s31+$0xFFFFFFFB]  }
0xd8: {  	v13 =	vmul.f32 v13, v4;
	v14 =	vmul.f32 v14, v5  }
0xd9: {  	v17 =	vld [tilespmem:s31+$0xFFFFFFFC]  }
0xda: {  	v13 =	vadd.f32 v14, v13;
	v14 =	vmul.f32 v15, v6  }
0xdb: {  	v15 =	vld [tilespmem:s31+$0xFFFFFFFD]  }
0xdc: {  	v13 =	vadd.f32 v14, v13;
	v14 =	vmul.f32 v16, v7  }
0xdd: {  	v16 =	vld [tilespmem:s31+$0xFFFFFFFE]  }
0xde: {  	v13 =	vadd.f32 v14, v13;
	v14 =	vmul.f32 v17, v8  }
0xdf: {  	v17 =	vld [tilespmem:s31+$0xFFFFFFFF]  }
0xe0: {  	v13 =	vadd.f32 v14, v13;
	v14 =	vmul.f32 v15, v9  }
0xe1: {  	v15 =	vld [tilespmem:s31+$0x0]  }
0xe2: {  	v13 =	vadd.f32 v14, v13;
	v14 =	vmul.f32 v16, v10;
	_ =	sdelay $0x1  }
0xe3: {  	v13 =	vadd.f32 v14, v13;
	v14 =	vmul.f32 v17, v11;
	_ =	sdelay $0x1  }
0xe4: {  	v13 =	vadd.f32 v14, v13;
	v14 =	vmul.f32 v15, v12;
	_ =	sdelay $0x1  }
0xe5: {  	v15 =	vadd.f32 v14, v13;
	_ =	sdelay $0x1  }
0xe6: {  	v13 =	vtrunc.f32 v15  }
0xe7: {  	v13 =	vcvt.f32.s32 v13;
	_ =	sdelay $0x1  }
0xe8: {  	v16 =	vmov s16;
	v13 =	vshll.u32 v13, $0xA  }
0xe9: {  	v14 =	vadd.s32 $0x23B, v0;
	v17 =	vsub.s32 v13, v16;
	v13 =	vadd.s32 $0x3FF, v0  }
0xea: {  	vm9 =	vlt.u32 v16, v14;
	v17 =	vadd.s32 v13, v17  }
0xeb: {  	s16 =	simm.s32 $0x1480;
	[tilespmem:s13+$0x0] =	vst v15;
	v15 =	vnsel vm9, $0xFFFFFFFF, v17  }
0xec: {  	s19 =	simm.s32 $0x927;
	[tilespmem:s16+$0x0] =	vst v15  }
0xed: {  	v15 =	vld [tilespmem:s19+$0xFFFFFFF8]  }
0xee: {  	s18 =	simm.s32 $0x10;
	s20 =	simm.s32 $0x20;
	s17 =	smov.u32 s13;
	v16 =	vld [tilespmem:s19+$0xFFFFFFF9]  }
.LBB2_7:
0xef: {  	p0 =	sne.s32 s20, $0x230  }
0xf0: {  	v17 =	vld [tilespmem:s19+$0xFFFFFFFA];
	_ =	sdelay $0x1  }
0xf1: {  	v18 =	vld [tilespmem:s19+$0xFFFFFFFB]  }
0xf2: {  	v15 =	vmul.f32 v15, v4;
	v16 =	vmul.f32 v16, v5  }
0xf3: {  	v19 =	vld [tilespmem:s19+$0xFFFFFFFC]  }
0xf4: {  	v15 =	vadd.f32 v16, v15;
	v16 =	vmul.f32 v17, v6  }
0xf5: {  	v17 =	vld [tilespmem:s19+$0xFFFFFFFD]  }
0xf6: {  	v15 =	vadd.f32 v16, v15;
	v16 =	vmul.f32 v18, v7  }
0xf7: {  	v18 =	vld [tilespmem:s19+$0xFFFFFFFE]  }
0xf8: {  	v15 =	vadd.f32 v16, v15;
	v16 =	vmul.f32 v19, v8  }
0xf9: {  	v19 =	vld [tilespmem:s19+$0xFFFFFFFF]  }
0xfa: {  	v15 =	vadd.f32 v16, v15;
	v16 =	vmul.f32 v17, v9  }
0xfb: {  	v17 =	vld [tilespmem:s19+$0x0]  }
0xfc: {  	v15 =	vadd.f32 v16, v15;
	v16 =	vmul.f32 v18, v10;
	_ =	sdelay $0x1  }
0xfd: {  	v15 =	vadd.f32 v16, v15;
	v16 =	vmul.f32 v19, v11;
	_ =	sdelay $0x1  }
0xfe: {  	v15 =	vadd.f32 v16, v15;
	v16 =	vmul.f32 v17, v12;
	_ =	sdelay $0x1  }
0xff: {  	v15 =	vadd.f32 v16, v15  }
0x100: {  	s17 =	sadd.s32 $0x10, s17  }
0x101: {  	[tilespmem:s17+$0x0] =	vst v15;
	v15 =	vtrunc.f32 v15  }
0x102: {  	v15 =	vcvt.f32.s32 v15;
	_ =	sdelay $0x1  }
0x103: {  	v16 =	vmov s18;
	s18 =	smov.u32 s20;
	v15 =	vshll.u32 v15, $0xA  }
0x104: {  	v15 =	vsub.s32 v15, v16  }
.Ltmp4:
0x105: {  	vm9 =	vlt.u32 v16, v14;
	v15 =	vadd.s32 v13, v15;
	(pc) =	sbr.rel @p0 .LBB2_7-.Ltmp4, $4  }
0x106: {  	s16 =	sadd.s32 $0x10, s16;
	v15 =	vnsel vm9, $0xFFFFFFFF, v15  }
0x107: {  	s19 =	sadd.s32 $0x10, s19;
	[tilespmem:s16+$0x0] =	vst v15  }
0x108: {  	v15 =	vld [tilespmem:s19+$0xFFFFFFF8]  }
0x109: {  	s20 =	sadd.s32 $0x10, s20;
	v16 =	vld [tilespmem:s19+$0xFFFFFFF9]  }
0x10a: {  	_ = 	snop  }
0x10b: {  	v17 =	vld [tilespmem:s19+$0xFFFFFFFA];
	_ =	sdelay $0x1  }
0x10c: {  	v18 =	vld [tilespmem:s19+$0xFFFFFFFB]  }
0x10d: {  	v15 =	vmul.f32 v15, v4;
	v16 =	vmul.f32 v16, v5  }
0x10e: {  	v19 =	vld [tilespmem:s19+$0xFFFFFFFC]  }
0x10f: {  	v52 =	vmul.f32 v17, v6;
	v15 =	vadd.f32 v16, v15  }
0x110: {  	v53 =	vld [tilespmem:s19+$0xFFFFFFFD]  }
0x111: {  	v54 =	vmul.f32 v18, v7;
	v15 =	vadd.f32 v52, v15  }
0x112: {  	v55 =	vld [tilespmem:s19+$0xFFFFFFFE]  }
0x113: {  	v56 =	vmul.f32 v19, v8;
	v15 =	vadd.f32 v54, v15  }
0x114: {  	v57 =	vld [tilespmem:s19+$0xFFFFFFFF]  }
0x115: {  	v58 =	vmul.f32 v53, v9;
	v15 =	vadd.f32 v56, v15  }
0x116: {  	v59 =	vld [tilespmem:s19+$0x0]  }
0x117: {  	v60 =	vmul.f32 v55, v10;
	v15 =	vadd.f32 v58, v15;
	_ =	sdelay $0x1  }
0x118: {  	v61 =	vmul.f32 v57, v11;
	v15 =	vadd.f32 v60, v15;
	_ =	sdelay $0x1  }
0x119: {  	v62 =	vmul.f32 v59, v12;
	v15 =	vadd.f32 v61, v15;
	_ =	sdelay $0x1  }
0x11a: {  	v15 =	vadd.f32 v62, v15;
	_ =	sdelay $0x1  }
0x11b: {  	v16 =	vtrunc.f32 v15  }
0x11c: {  	v16 =	vcvt.f32.s32 v16;
	_ =	sdelay $0x1  }
0x11d: {  	v63 =	vmov s18;
	v16 =	vshll.u32 v16, $0xA  }
0x11e: {  	p6 =	por $0x1, $0x1;
	v16 =	vsub.s32 v16, v63  }
.Ltmp5:
0x11f: {  	s17 =	sadd.s32 $0x10, s17;
	vm9 =	vlt.u32 v63, v14;
	v13 =	vadd.s32 v13, v16;
	(pc) =	sbr.rel @!p6 .LBB2_9-.Ltmp5, $4  }
0x120: {  	s31 =	sadd.s32 $0x10, s16;
	[tilespmem:s17+$0x0] =	vst v15;
	v13 =	vnsel vm9, $0xFFFFFFFF, v13  }
0x121: {  	s16 =	simm.s32 $0x0;
	s18 =	simm.s32 $0x0;
	p0 =	por $0x0, $0x0;
	[tilespmem:s31+$0x0] =	vst v13  }
0x122: {  	p1 =	por $0x0, $0x0;
	p2 =	por $0x0, $0x0;
	p3 =	por $0x0, $0x0;
	v13 =	vld [tilespmem:s18+$0x1490]  }
0x123: {  	p4 =	por $0x0, $0x0;
	p5 =	por $0x0, $0x0;
	s17 =	simm.s32 $0x80;
	v14 =	vld [tilespmem:s18+$0x1480]  }
0x124: {  	p6 =	por $0x1, $0x1  }
.Ltmp6:
0x125: {  	_ = 	snop;
	(pc) =	sbr.rel @!p6 .LBB2_11-.Ltmp6, $4  }
0x126: {  	_ = 	snop  }
0x127: {  	s19 =	simm.s32 $0x20;
	v15 =	vxor.u32 $0x80000000, v13  }
0x128: {  	v13 =	vld [tilespmem:s19+$0x1490];
	(xrf1) =	vsort.dscd.msk.u32 $0xffff, v15, v2;
	v15 =	vxor.u32 $0x80000000, v14  }
0x129: {  	p0 =	por $0x1, $0x1;
	v14 =	vld [tilespmem:s19+$0x1480];
	(xrf1) =	vsort.dscd.msk.u32 $0xffff, v15, v2  }
0x12a: {  	p6 =	por $0x1, $0x1  }
.Ltmp7:
0x12b: {  	_ = 	snop;
	(pc) =	sbr.rel @!p6 .LBB2_13-.Ltmp7, $4  }
0x12c: {  	_ = 	snop  }
0x12d: {  	s21 =	simm.s32 $0x40;
	v15 =	vxor.u32 $0x80000000, v13  }
0x12e: {  	v13 =	vld [tilespmem:s21+$0x1490];
	(xrf1) =	vsort.dscd.msk.u32 $0xffff, v15, v2;
	v15 =	vxor.u32 $0x80000000, v14  }
0x12f: {  	p1 =	por $0x1, $0x1;
	v14 =	vld [tilespmem:s21+$0x1480];
	(xrf1) =	vsort.dscd.msk.u32 $0xffff, v15, v2  }
0x130: {  	_ =	sdelay $0x2  }
0x131: {  	p6 =	por $0x1, $0x1  }
.Ltmp8:
0x132: {  	_ = 	snop;
	(pc) =	sbr.rel @!p6 .LBB2_15-.Ltmp8, $4  }
0x133: {  	_ = 	snop  }
0x134: {  	s22 =	simm.s32 $0x60;
	v15 =	vxor.u32 $0x80000000, v13;
	v16, _, _ =	vpop (xrf1)  }
0x135: {  	v13 =	vld [tilespmem:s22+$0x1490];
	(xrf1) =	vsort.dscd.msk.u32 $0xffff, v15, v2;
	v15 =	vxor.u32 $0x80000000, v14;
	v16 =	vxor.u32 $0x80000000, v16  }
0x136: {  	p2 =	por $0x1, $0x1;
	v14 =	vld [tilespmem:s22+$0x1480];
	(xrf1) =	vsort.dscd.msk.u32 $0xffff, v15, v2;
	v18, _, _ =	vpop (xrf1);
	v15 =	vperm.xlane v16, v3  }
0x137: {  	_ =	sdelay $0x1  }
0x138: {  	v16 =	vxor.u32 $0x80000000, v18  }
0x139: {  	vm9 =	vgt.s32 v16, v15;
	v13 =	vxor.u32 $0x80000000, v13  }
0x13a: {  	(xrf1) =	vsort.dscd.msk.u32 $0xffff, v13, v2;
	v13 =	vxor.u32 $0x80000000, v14;
	v14 =	vsel vm9, v15, v16  }
0x13b: {  	v15 =	vsel vm9, v16, v15;
	(xrf1) =	vsort.dscd.msk.u32 $0xffff, v13, v2;
	v14 =	vxor.u32 $0x80000000, v14  }
0x13c: {  	v15 =	vxor.u32 $0x80000000, v15;
	(xrf1) =	vsort.dscd.msk.u32 $0xffff, v14, v2  }
0x13d: {  	(xrf1) =	vsort.dscd.msk.u32 $0xffff, v15, v2;
	_ =	sdelay $0x6  }
0x13e: {  	p6 =	por $0x1, $0x1  }
.Ltmp9:
0x13f: {  	v16, _, _ =	vpop (xrf1);
	(pc) =	sbr.rel @!p6 .LBB2_17-.Ltmp9, $4  }
0x140: {  	v16 =	vxor.u32 $0x80000000, v16  }
0x141: {  	s23 =	simm.s32 $0x80  }
0x142: {  	v13 =	vld [tilespmem:s23+$0x1490]  }
0x143: {  	p3 =	por $0x1, $0x1;
	v14 =	vld [tilespmem:s23+$0x1480];
	v17 =	vperm.xlane v16, v3;
	v16, _, _ =	vpop (xrf1)  }
0x144: {  	_ =	sdelay $0x1  }
0x145: {  	v15 =	vxor.u32 $0x80000000, v16  }
0x146: {  	vm9 =	vgt.s32 v15, v17;
	v13 =	vxor.u32 $0x80000000, v13  }
0x147: {  	(xrf1) =	vsort.dscd.msk.u32 $0xffff, v13, v2;
	v13 =	vxor.u32 $0x80000000, v14;
	v14 =	vsel vm9, v17, v15  }
0x148: {  	v15 =	vsel vm9, v15, v17;
	(xrf1) =	vsort.dscd.msk.u32 $0xffff, v13, v2;
	v14 =	vxor.u32 $0x80000000, v14  }
0x149: {  	v15 =	vxor.u32 $0x80000000, v15;
	(xrf1) =	vsort.dscd.msk.u32 $0xffff, v14, v2  }
0x14a: {  	(xrf1) =	vsort.dscd.msk.u32 $0xffff, v15, v2;
	_ =	sdelay $0x2  }
0x14b: {  	p6 =	por $0x1, $0x1  }
.Ltmp10:
0x14c: {  	_ = 	snop;
	(pc) =	sbr.rel @!p6 .LBB2_19-.Ltmp10, $4  }
0x14d: {  	_ = 	snop  }
0x14e: {  	s30 =	simm.s32 $0xA0;
	v18, _, _ =	vpop (xrf1)  }
0x14f: {  	v18 =	vxor.u32 $0x80000000, v18;
	v13 =	vld [tilespmem:s30+$0x1490]  }
0x150: {  	p4 =	por $0x1, $0x1;
	v19, _, _ =	vpop (xrf1);
	v20 =	vperm.xlane v18, v3;
	v14 =	vld [tilespmem:s30+$0x1480]  }
0x151: {  	_ =	sdelay $0x1  }
0x152: {  	v15 =	vxor.u32 $0x80000000, v19  }
0x153: {  	vm9 =	vgt.s32 v15, v20;
	v13 =	vxor.u32 $0x80000000, v13  }
0x154: {  	(xrf1) =	vsort.dscd.msk.u32 $0xffff, v13, v2;
	v13 =	vxor.u32 $0x80000000, v14;
	v14 =	vsel vm9, v20, v15  }
0x155: {  	v15 =	vsel vm9, v15, v20;
	(xrf1) =	vsort.dscd.msk.u32 $0xffff, v13, v2;
	v14 =	vxor.u32 $0x80000000, v14  }
0x156: {  	v21 =	vxor.u32 $0x80000000, v15;
	(xrf1) =	vsort.dscd.msk.u32 $0xffff, v14, v2  }
0x157: {  	(xrf1) =	vsort.dscd.msk.u32 $0xffff, v21, v2;
	_ =	sdelay $0x2  }
0x158: {  	s20 =	simm.s32 $0xC0;
	p6 =	por $0x1, $0x1  }
.Ltmp11:
0x159: {  	v13 =	vld [tilespmem:s20+$0x1490];
	(pc) =	sbr.rel @!p6 .LBB2_21-.Ltmp11, $4  }
0x15a: {  	_ = 	snop  }
0x15b: {  	v18, _, _ =	vpop (xrf1);
	v14 =	vld [tilespmem:s20+$0x1480]  }
0x15c: {  	s29 =	simm.s32 $0x380;
	p5 =	por $0x1, $0x1;
	s24 =	simm.s32 $0x0;
	v15 =	vxor.u32 $0x80000000, v18  }
0x15d: {  	s25 =	simm.s32 $0x20;
	s26 =	simm.s32 $0x40;
	s28 =	simm.s32 $0x60;
	v18, _, _ =	vpop (xrf1);
	v15 =	vperm.xlane v15, v3  }
.LBB2_22:
0x15e: {  	s31 =	sshra.s32 s29, $0x2;
	p6 =	sne.s32 s29, $0x880;
	s29 =	sadd.s32 $0x80, s29;
	v21 =	vxor.u32 $0x80000000, v13;
	v18 =	vxor.u32 $0x80000000, v18;
	v22, _, _ =	vpop (xrf1)  }
.Ltmp12:
0x15f: {  	s0 =	smov.u32 s20;
	v13 =	vld [tilespmem:s31+$0x1490];
	(xrf1) =	vsort.dscd.msk.u32 $0xffff, v21, v2;
	vm9 =	vgt.s32 v18, v15;
	v21 =	vxor.u32 $0x80000000, v22;
	v22, _, _ =	vpop (xrf1);
	s20 =	smov.u32 s31;
	(pc) =	sbr.rel @p6 .LBB2_22-.Ltmp12, $4  }
0x160: {  	v23 =	vxor.u32 $0x80000000, v14;
	v24 =	vsel vm9, v18, v15;
	v15 =	vsel vm9, v15, v18;
	[tilespmem:s24+$0x1990] =	vst v21  }
0x161: {  	v22 =	vxor.u32 $0x80000000, v22;
	v14 =	vld [tilespmem:s20+$0x1480];
	(xrf1) =	vsort.dscd.msk.u32 $0xffff, v23, v2;
	v18, _, _ =	vpop (xrf1);
	v21 =	vxor.u32 $0x80000000, v24;
	v15 =	vxor.u32 $0x80000000, v15  }
0x162: {  	v23 =	vxor.u32 $0x80000000, v18;
	(xrf1) =	vsort.dscd.msk.u32 $0xffff, v15, v2;
	[tilespmem:s24+$0x1980] =	vst v22;
	s24 =	smov.u32 s25;
	s25 =	smov.u32 s26;
	s26 =	smov.u32 s28  }
0x163: {  	s28 =	smov.u32 s23;
	s23 =	smov.u32 s30;
	s30 =	smov.u32 s0;
	v15 =	vperm.xlane v23, v3;
	v18, _, _ =	vpop (xrf1);
	(xrf1) =	vsort.dscd.msk.u32 $0xffff, v21, v2  }
0x164: {  	s29 =	smov.u32 s23;
	s23 =	smov.u32 s30  }
.LBB2_24:
0x165: {  	v13 =	vxor.u32 $0x80000000, v13  }
0x166: {  	(xrf1) =	vsort.dscd.msk.u32 $0xffff, v13, v2  }
0x167: {  	v13 =	vxor.u32 $0x80000000, v14  }
0x168: {  	(xrf1) =	vsort.dscd.msk.u32 $0xffff, v13, v2;
	_ =	sdelay $0x1  }
0x169: {  	v13, _, _ =	vpop @p5 (xrf1)  }
0x16a: {  	v14, _, _ =	vpop @p5 (xrf1)  }
0x16b: {  	v21, _, _ =	vpop @p1 (xrf1)  }
0x16c: {  	v22, _, _ =	vpop @p1 (xrf1);
	v21 =	vxor.u32 @p1 $0x80000000, v21  }
0x16d: {  	v18 =	vxor.u32 @p2 $0x80000000, v18;
	v23, _, _ =	vpop @p4 (xrf1);
	v21 =	vperm.xlane @p1 v21, v3  }
0x16e: {  	vm9 =	vgt.s32 @p2 v18, v15;
	v24, _, _ =	vpop @p4 (xrf1)  }
0x16f: {  	v25 =	vsel @p2 vm9, v18, v15;
	v19 =	vpsel p1, v22, v19;
	v22, _, _ =	vpop @p0 (xrf1);
	v20 =	vpsel p1, v21, v20  }
0x170: {  	v15 =	vsel @p2 vm9, v15, v18;
	v19 =	vxor.u32 @p1 $0x80000000, v19;
	v21 =	vxor.u32 @p0 $0x80000000, v22;
	v22, _, _ =	vpop @p0 (xrf1)  }
0x171: {  	v15 =	vxor.u32 @p2 $0x80000000, v15;
	vm10 =	vgt.s32 @p1 v19, v20;
	v21 =	vperm.xlane @p0 v21, v3;
	v26, _, _ =	vpop @p3 (xrf1)  }
0x172: {  	v18 =	vsel @p1 vm10, v19, v20;
	v19 =	vsel @p1 vm10, v20, v19;
	v16 =	vpsel p0, v22, v16;
	v20, _, _ =	vpop @p3 (xrf1)  }
0x173: {  	(xrf1) =	vsort.dscd.msk.u32 @p2 $0xffff, v15, v2;
	v15 =	vxor.u32 @p2 $0x80000000, v25;
	v16 =	vxor.u32 @p0 $0x80000000, v16;
	v17 =	vpsel p0, v21, v17;
	v60, _, _ =	vpop (xrf1)  }
0x174: {  	(xrf1) =	vsort.dscd.msk.u32 @p2 $0xffff, v15, v2;
	v15 =	vxor.u32 @p1 $0x80000000, v19;
	vm9 =	vgt.s32 @p0 v16, v17;
	v21 =	vxor.u32 $0x80000000, v60  }
0x175: {  	v18 =	vxor.u32 @p1 $0x80000000, v18;
	(xrf1) =	vsort.dscd.msk.u32 @p1 $0xffff, v15, v2;
	v62, _, _ =	vpop (xrf1);
	v15 =	vsel @p0 vm9, v17, v16;
	v61 =	vperm.xlane v21, v3  }
0x176: {  	(xrf1) =	vsort.dscd.msk.u32 @p1 $0xffff, v18, v2;
	v16 =	vsel @p0 vm9, v16, v17;
	v21 =	vxor.u32 $0x80000000, v62;
	v15 =	vxor.u32 @p0 $0x80000000, v15  }
0x177: {  	v16 =	vxor.u32 @p0 $0x80000000, v16;
	(xrf1) =	vsort.dscd.msk.u32 @p0 $0xffff, v15, v2;
	vm9 =	vgt.s32 v21, v61  }
0x178: {  	(xrf1) =	vsort.dscd.msk.u32 @p0 $0xffff, v16, v2;
	v15 =	vsel vm9, v61, v21  }
0x179: {  	v63 =	vsel vm9, v21, v61;
	v15 =	vxor.u32 $0x80000000, v15  }
0x17a: {  	v16 =	vxor.u32 $0x80000000, v63;
	(xrf1) =	vsort.dscd.msk.u32 $0xffff, v15, v2  }
0x17b: {  	(xrf1) =	vsort.dscd.msk.u32 $0xffff, v16, v2  }
0x17c: {  	s0 =	smov.u32 @p3 s26;
	s26 =	smov.u32 @p2 s28;
	s28 =	smov.u32 s18;
	v13 =	vxor.u32 @p5 $0x80000000, v13  }
0x17d: {  	s30 =	smov.u32 s19;
	s28 =	smov.u32 @p3 s0;
	s0 =	smov.u32 @p4 s25;
	[tilespmem:s24+$0x1990] =	vst @p5 v13;
	v13 =	vxor.u32 @p5 $0x80000000, v14  }
0x17e: {  	s30 =	smov.u32 @p2 s26;
	s0 =	smov.u32 @p4 s0;
	[tilespmem:s24+$0x1980] =	vst @p5 v13;
	v13 =	vxor.u32 @p4 $0x80000000, v23  }
0x17f: {  	s22 =	smov.u32 @p0 s23;
	s23 =	smov.u32 @p3 s28;
	s24 =	smov.u32 @p2 s30;
	[tilespmem:s0+$0x1990] =	vst @p4 v13;
	v13 =	vxor.u32 @p4 $0x80000000, v24  }
0x180: {  	s25 =	smov.u32 @p1 s29;
	s23 =	smov.u32 @p3 s23;
	s24 =	smov.u32 @p2 s24;
	[tilespmem:s0+$0x1980] =	vst @p4 v13;
	v13 =	vxor.u32 @p3 $0x80000000, v26  }
0x181: {  	s21 =	smov.u32 @p1 s25;
	s0 =	smov.u32 @p2 s24;
	[tilespmem:s23+$0x1990] =	vst @p3 v13;
	v13 =	vxor.u32 @p3 $0x80000000, v20;
	v14, _, _ =	vpop @p2 (xrf1)  }
0x182: {  	s18 =	smov.u32 @p1 s21;
	s0 =	smov.u32 @p2 s0;
	[tilespmem:s23+$0x1980] =	vst @p3 v13;
	v13 =	vxor.u32 @p2 $0x80000000, v14;
	v14, _, _ =	vpop @p2 (xrf1)  }
0x183: {  	s19 =	smov.u32 @p0 s22;
	s18 =	smov.u32 @p1 s18;
	[tilespmem:s0+$0x1990] =	vst @p2 v13;
	v13 =	vxor.u32 @p2 $0x80000000, v14;
	v14, _, _ =	vpop @p1 (xrf1)  }
0x184: {  	s19 =	smov.u32 @p0 s19;
	[tilespmem:s0+$0x1980] =	vst @p2 v13;
	s0 =	smov.u32 @p1 s18;
	v13 =	vxor.u32 @p1 $0x80000000, v14;
	v14, _, _ =	vpop @p1 (xrf1)  }
0x185: {  	s18 =	smov.u32 @p0 s19;
	[tilespmem:s0+$0x1990] =	vst @p1 v13;
	v13 =	vxor.u32 @p1 $0x80000000, v14;
	v14, _, _ =	vpop @p0 (xrf1)  }
0x186: {  	[tilespmem:s0+$0x1980] =	vst @p1 v13;
	s0 =	smov.u32 @p0 s18;
	v13 =	vxor.u32 @p0 $0x80000000, v14;
	v14, _, _ =	vpop @p0 (xrf1)  }
0x187: {  	[tilespmem:s0+$0x1990] =	vst @p0 v13;
	v13 =	vxor.u32 @p0 $0x80000000, v14  }
0x188: {  	[tilespmem:s0+$0x1980] =	vst @p0 v13;
	p0 =	por $0x1, $0x1;
	v14, _, _ =	vpop (xrf1)  }
.Ltmp13:
0x189: {  	v13 =	vxor.u32 $0x80000000, v14;
	v14, _, _ =	vpop (xrf1);
	(pc) =	sbr.rel @!p0 .LBB2_26-.Ltmp13, $4  }
0x18a: {  	[tilespmem:s20+$0x1990] =	vst v13;
	v13 =	vxor.u32 $0x80000000, v14  }
0x18b: {  	s18 =	simm.s32 $0x19A0;
	[tilespmem:s20+$0x1980] =	vst v13  }
0x18c: {  	v13 =	vld [tilespmem:s18+$0x10]  }
0x18d: {  	v14 =	vld [tilespmem:s18+$0x0]  }
.LBB2_25:
0x18e: {  	p0 =	sne.s32 s17, $0x400;
	v15 =	vld [tilespmem:s18+$0xFFFFFFF0]  }
0x18f: {  	v16 =	vld [tilespmem:s18+$0xFFFFFFE0];
	_ =	sdelay $0x2  }
0x190: {  	v13 =	vperm.xlane v13, v3;
	v14 =	vperm.xlane v14, v3;
	_ =	sdelay $0x1  }
0x191: {  	vm9 =	vgt.s32 v16, v13;
	vm10 =	vgt.s32 v15, v14  }
0x192: {  	v13 =	vsel vm9, v16, v13;
	v14 =	vsel vm10, v15, v14  }
0x193: {  	vm9 =	vlt.s32 v13, v14  }
0x194: {  	v15 =	vsel vm9, v14, v13;
	v13 =	vsel vm9, v13, v14  }
0x195: {  	v14 =	vxor.u32 $0x80000000, v15;
	v13 =	vxor.u32 $0x80000000, v13  }
0x196: {  	(xrf1) =	vsort.dscd.msk.u32 $0xffff, v14, v2  }
0x197: {  	(xrf1) =	vsort.dscd.msk.u32 $0xffff, v13, v2;
	_ =	sdelay $0xc  }
0x198: {  	v13, _, _ =	vpop (xrf1)  }
.Ltmp14:
0x199: {  	s0 =	sshra.s32 s16, $0x2;
	s16 =	smov.u32 s17;
	v13 =	vxor.u32 $0x80000000, v13;
	v14, _, _ =	vpop (xrf1);
	(pc) =	sbr.rel @p0 .LBB2_25-.Ltmp14, $4  }
0x19a: {  	v14 =	vxor.u32 $0x80000000, v14;
	[tilespmem:s0+$0x1980] =	vst v13  }
0x19b: {  	s18 =	sadd.s32 $0x40, s18;
	[tilespmem:s0+$0x1990] =	vst v14  }
0x19c: {  	v13 =	vld [tilespmem:s18+$0x10]  }
0x19d: {  	s17 =	sadd.s32 $0x80, s17;
	v14 =	vld [tilespmem:s18+$0x0]  }
.LBB2_26:
0x19e: {  	v15 =	vld [tilespmem:s18+$0xFFFFFFF0]  }
0x19f: {  	v16 =	vld [tilespmem:s18+$0xFFFFFFE0];
	_ =	sdelay $0x2  }
0x1a0: {  	v13 =	vperm.xlane v13, v3;
	v14 =	vperm.xlane v14, v3;
	_ =	sdelay $0x1  }
0x1a1: {  	vm9 =	vgt.s32 v16, v13;
	vm10 =	vgt.s32 v15, v14  }
0x1a2: {  	v13 =	vsel vm9, v16, v13;
	v14 =	vsel vm10, v15, v14  }
0x1a3: {  	vm9 =	vlt.s32 v13, v14  }
0x1a4: {  	v15 =	vsel vm9, v14, v13  }
0x1a5: {  	v13 =	vsel vm9, v13, v14;
	v14 =	vxor.u32 $0x80000000, v15  }
0x1a6: {  	v13 =	vxor.u32 $0x80000000, v13;
	(xrf1) =	vsort.dscd.msk.u32 $0xffff, v14, v2  }
0x1a7: {  	(xrf1) =	vsort.dscd.msk.u32 $0xffff, v13, v2;
	_ =	sdelay $0xc  }
0x1a8: {  	v13, _, _ =	vpop (xrf1)  }
0x1a9: {  	s0 =	sshra.s32 s16, $0x2;
	v13 =	vxor.u32 $0x80000000, v13;
	v14, _, _ =	vpop (xrf1)  }
0x1aa: {  	v14 =	vxor.u32 $0x80000000, v14;
	[tilespmem:s0+$0x1980] =	vst v13  }
0x1ab: {  	[tilespmem:s0+$0x1990] =	vst v14  }
0x1ac: {  	v13 =	vld [tilespmem:$0x1980]  }
0x1ad: {  	v14 =	vld [tilespmem:$0x1990]  }
0x1ae: {  	v15 =	vld [tilespmem:$0x19B0]  }
0x1af: {  	v38 =	vld [tilespmem:$0x19A0]  }
0x1b0: {  	v17 =	vld [tilespmem:$0x19C0]  }
0x1b1: {  	v18 =	vld [tilespmem:$0x19E0]  }
0x1b2: {  	v19 =	vld [tilespmem:$0x19F0]  }
0x1b3: {  	v40 =	vld [tilespmem:$0x1A20]  }
0x1b4: {  	v23 =	vld [tilespmem:$0x1A60]  }
0x1b5: {  	v25 =	vld [tilespmem:$0x1A70]  }
0x1b6: {  	v20 =	vld [tilespmem:$0x19D0];
	v15 =	vperm.xlane v15, v3  }
0x1b7: {  	v44 =	vld [tilespmem:$0x1A50]  }
0x1b8: {  	v16 =	vperm.xlane v38, v3;
	v39 =	vperm.xlane v19, v3;
	vm9 =	vgt.s32 v13, v15  }
0x1b9: {  	v18 =	vperm.xlane v18, v3;
	v19 =	vperm.xlane v40, v3;
	v13 =	vsel vm9, v13, v15;
	v15 =	vld [tilespmem:$0x1A30]  }
0x1ba: {  	v22 =	vld [tilespmem:$0x1A10];
	v46 =	vperm.xlane v25, v3;
	v47 =	vperm.xlane v23, v3;
	vm9 =	vgt.s32 v14, v16  }
0x1bb: {  	v21 =	vld [tilespmem:$0x1A00];
	vm10 =	vgt.s32 v17, v39;
	vm11 =	vgt.s32 v20, v18;
	v14 =	vsel vm9, v14, v16  }
0x1bc: {  	v41 =	vsel vm11, v20, v18;
	vm11 =	vgt.s32 v44, v47;
	vm9 =	vlt.s32 v13, v14  }
0x1bd: {  	v42 =	vld [tilespmem:$0x1A40];
	v24 =	vsel vm9, v14, v13;
	v13 =	vsel vm9, v13, v14;
	v14 =	vsel vm10, v17, v39  }
0x1be: {  	v43 =	vxor.u32 $0x80000000, v24;
	vm9 =	vlt.s32 v14, v41;
	v15 =	vperm.xlane v15, v3  }
0x1bf: {  	vm10 =	vgt.s32 v22, v19;
	v13 =	vxor.u32 $0x80000000, v13;
	(xrf1) =	vsort.dscd.msk.u32 $0xffff, v43, v2;
	v45 =	vsel vm9, v41, v14  }
0x1c0: {  	(xrf1) =	vsort.dscd.msk.u32 $0xffff, v13, v2;
	v13 =	vsel vm9, v14, v41;
	v14 =	vxor.u32 $0x80000000, v45;
	vm9 =	vgt.s32 v21, v15  }
0x1c1: {  	(xrf1) =	vsort.dscd.msk.u32 $0xffff, v14, v2;
	v14 =	vsel vm9, v21, v15;
	v15 =	vsel vm10, v22, v19  }
0x1c2: {  	v48 =	vsel vm11, v44, v47;
	vm10 =	vgt.s32 v42, v46;
	vm9 =	vlt.s32 v14, v15  }
0x1c3: {  	v13 =	vxor.u32 $0x80000000, v13;
	v16 =	vsel vm10, v42, v46;
	v19 =	vsel vm9, v15, v14  }
0x1c4: {  	(xrf1) =	vsort.dscd.msk.u32 $0xffff, v13, v2;
	v13 =	vsel vm9, v14, v15;
	vm9 =	vlt.s32 v16, v48;
	v14 =	vxor.u32 $0x80000000, v19  }
0x1c5: {  	v13 =	vxor.u32 $0x80000000, v13;
	(xrf1) =	vsort.dscd.msk.u32 $0xffff, v14, v2;
	v14 =	vsel vm9, v48, v16  }
0x1c6: {  	(xrf1) =	vsort.dscd.msk.u32 $0xffff, v13, v2;
	v13 =	vsel vm9, v16, v48;
	v14 =	vxor.u32 $0x80000000, v14  }
0x1c7: {  	(xrf1) =	vsort.dscd.msk.u32 $0xffff, v14, v2;
	v13 =	vxor.u32 $0x80000000, v13  }
0x1c8: {  	(xrf1) =	vsort.dscd.msk.u32 $0xffff, v13, v2;
	_ =	sdelay $0x6  }
0x1c9: {  	v13, _, _ =	vpop (xrf1)  }
0x1ca: {  	v14, _, _ =	vpop (xrf1)  }
0x1cb: {  	v15, _, _ =	vpop (xrf1)  }
0x1cc: {  	v49, _, _ =	vpop (xrf1)  }
0x1cd: {  	v16 =	vxor.u32 $0x80000000, v49;
	v50, _, _ =	vpop (xrf1)  }
0x1ce: {  	v16 =	vperm.xlane v16, v3;
	v51, _, _ =	vpop (xrf1)  }
0x1cf: {  	v13 =	vxor.u32 $0x80000000, v13;
	v15 =	vxor.u32 $0x80000000, v15;
	v52, _, _ =	vpop (xrf1)  }
0x1d0: {  	v14 =	vxor.u32 $0x80000000, v14;
	v15 =	vperm.xlane v15, v3;
	vm9 =	vgt.s32 v13, v16;
	v53, _, _ =	vpop (xrf1)  }
0x1d1: {  	v13 =	vsel vm9, v13, v16;
	v19 =	vxor.u32 $0x80000000, v52;
	v20 =	vxor.u32 $0x80000000, v53  }
0x1d2: {  	vm9 =	vgt.s32 v14, v15;
	v55 =	vperm.xlane v19, v3;
	v54 =	vperm.xlane v20, v3  }
0x1d3: {  	v17 =	vxor.u32 $0x80000000, v50;
	v18 =	vxor.u32 $0x80000000, v51;
	v14 =	vsel vm9, v14, v15  }
0x1d4: {  	vm9 =	vlt.s32 v13, v14;
	vm11 =	vgt.s32 v18, v55;
	vm10 =	vgt.s32 v17, v54  }
0x1d5: {  	v56 =	vsel vm9, v14, v13;
	v57 =	vsel vm11, v18, v55;
	v15 =	vsel vm10, v17, v54  }
0x1d6: {  	v13 =	vsel vm9, v13, v14;
	v14 =	vxor.u32 $0x80000000, v56;
	vm9 =	vlt.s32 v15, v57  }
0x1d7: {  	v13 =	vxor.u32 $0x80000000, v13;
	(xrf1) =	vsort.dscd.msk.u32 $0xffff, v14, v2;
	v14 =	vsel vm9, v57, v15  }
0x1d8: {  	(xrf1) =	vsort.dscd.msk.u32 $0xffff, v13, v2;
	v13 =	vsel vm9, v15, v57;
	v14 =	vxor.u32 $0x80000000, v14  }
0x1d9: {  	v13 =	vxor.u32 $0x80000000, v13;
	(xrf1) =	vsort.dscd.msk.u32 $0xffff, v14, v2  }
0x1da: {  	(xrf1) =	vsort.dscd.msk.u32 $0xffff, v13, v2;
	_ =	sdelay $0xa  }
0x1db: {  	v13, _, _ =	vpop (xrf1)  }
0x1dc: {  	v14, _, _ =	vpop (xrf1)  }
0x1dd: {  	v15, _, _ =	vpop (xrf1)  }
0x1de: {  	v58, _, _ =	vpop (xrf1)  }
0x1df: {  	v15 =	vxor.u32 $0x80000000, v15;
	v16 =	vxor.u32 $0x80000000, v58  }
0x1e0: {  	v15 =	vperm.xlane v15, v3;
	v16 =	vperm.xlane v16, v3  }
0x1e1: {  	v13 =	vxor.u32 $0x80000000, v13;
	v14 =	vxor.u32 $0x80000000, v14  }
0x1e2: {  	vm10 =	vgt.s32 v14, v15;
	vm9 =	vgt.s32 v13, v16  }
0x1e3: {  	v14 =	vsel vm10, v14, v15;
	v13 =	vsel vm9, v13, v16  }
0x1e4: {  	vm9 =	vlt.s32 v13, v14  }
0x1e5: {  	v15 =	vsel vm9, v14, v13  }
0x1e6: {  	v13 =	vsel vm9, v13, v14;
	v14 =	vxor.u32 $0x80000000, v15  }
0x1e7: {  	v13 =	vxor.u32 $0x80000000, v13;
	(xrf1) =	vsort.dscd.msk.u32 $0xffff, v14, v2  }
0x1e8: {  	(xrf1) =	vsort.dscd.msk.u32 $0xffff, v13, v2;
	_ =	sdelay $0x7  }
0x1e9: {  	v14 =	vld [tilespmem:$0x1A90]  }
0x1ea: {  	v13 =	vld [tilespmem:$0x1A80];
	_ =	sdelay $0x3  }
0x1eb: {  	v15, _, _ =	vpop (xrf1)  }
0x1ec: {  	v60 =	vperm.xlane v14, v3;
	v61 =	vperm.xlane v13, v3;
	v59, _, _ =	vpop (xrf1)  }
0x1ed: {  	v15 =	vxor.u32 $0x80000000, v15;
	v16 =	vxor.u32 $0x80000000, v59  }
0x1ee: {  	vm9 =	vgt.s32 v15, v60;
	vm10 =	vgt.s32 v16, v61  }
0x1ef: {  	v15 =	vsel vm9, v15, v60;
	v16 =	vsel vm10, v16, v61  }
0x1f0: {  	vm9 =	vlt.s32 v15, v16  }
0x1f1: {  	v17 =	vsel vm9, v16, v15  }
0x1f2: {  	v15 =	vsel vm9, v15, v16;
	v62 =	vxor.u32 $0x80000000, v17  }
0x1f3: {  	v15 =	vxor.u32 $0x80000000, v15;
	(xrf1) =	vsort.dscd.msk.u32 $0xffff, v62, v2  }
0x1f4: {  	(xrf1) =	vsort.dscd.msk.u32 $0xffff, v15, v2;
	_ =	sdelay $0x6  }
0x1f5: {  	[tilespmem:$0x19E0] =	vst v19  }
0x1f6: {  	[tilespmem:$0x19F0] =	vst v20  }
0x1f7: {  	[tilespmem:$0x1A10] =	vst v14  }
0x1f8: {  	[tilespmem:$0x19D0] =	vst v14  }
0x1f9: {  	[tilespmem:$0x1A00] =	vst v13  }
0x1fa: {  	s31 =	sshll.u32 s15, $0x5;
	s15 =	sadd.s32 $0x1, s15;
	[tilespmem:$0x19C0] =	vst v13  }
0x1fb: {  	p0 =	sne.s32 s15, $0x4;
	[tilespmem:$0x19A0] =	vst v13;
	v13, _, _ =	vpop (xrf1)  }
.Ltmp15:
0x1fc: {  	[tilespmem:$0x19B0] =	vst v14;
	v14 =	vxor.u32 $0x80000000, v13;
	v15, _, _ =	vpop (xrf1);
	(pc) =	sbr.rel @p0 .LBB2_2-.Ltmp15, $4  }
.Ltmp16:
0x1fd: {  	v13 =	vand.u32 $0x3FF, v13;
	v63 =	vxor.u32 $0x80000000, v15;
	[tilespmem:$0x1980] =	vst v14;
	(pc) =	sbr.rel @!p0 .LBB2_27-.Ltmp16, $4  }
0x1fe: {  	s0 =	sand.u32 $0x3FFFFFE0, s31;
	v13 =	vsub.s32 $0x400, v13;
	v14 =	vand.u32 $0x3FF, v15;
	[tilespmem:$0x1990] =	vst v63  }
0x1ff: {  	[tilespmem:s0+$0x1C80] =	vst v13;
	v13 =	vsub.s32 $0x400, v14  }
0x200: {  	s14 =	sadd.s32 $0x240, s14;
	s13 =	sadd.s32 $0x240, s13;
	[tilespmem:s0+$0x1C90] =	vst v13  }
0x201: {  	_ = 	snop  }
.LBB2_9:
.Ltmp17:
0x202: {  	(pc) =	sbr.rel .LBB2_24-.Ltmp17, $2  }
0x203: {  	_ =	sdelay $0x2  }
0x204: {  	s20 =	simm.s32 $0x0  }
.LBB2_11:
.Ltmp18:
0x205: {  	(pc) =	sbr.rel .LBB2_24-.Ltmp18, $2  }
0x206: {  	_ =	sdelay $0x2  }
0x207: {  	s20 =	simm.s32 $0x20;
	s23 =	simm.s32 $0x0  }
.LBB2_13:
.Ltmp19:
0x208: {  	(pc) =	sbr.rel .LBB2_24-.Ltmp19, $2  }
0x209: {  	_ =	sdelay $0x2  }
0x20a: {  	s20 =	simm.s32 $0x40;
	s29 =	simm.s32 $0x0;
	s23 =	simm.s32 $0x20  }
.LBB2_15:
.Ltmp20:
0x20b: {  	(pc) =	sbr.rel .LBB2_24-.Ltmp20, $3  }
0x20c: {  	_ =	sdelay $0x1  }
0x20d: {  	s20 =	simm.s32 $0x60  }
0x20e: {  	s28 =	simm.s32 $0x0;
	s29 =	simm.s32 $0x20;
	s23 =	simm.s32 $0x40  }
.LBB2_17:
.Ltmp21:
0x20f: {  	(pc) =	sbr.rel .LBB2_24-.Ltmp21, $3  }
0x210: {  	_ =	sdelay $0x1  }
0x211: {  	s20 =	simm.s32 $0x80;
	s26 =	simm.s32 $0x0  }
0x212: {  	v18 =	vmov v16;
	s28 =	simm.s32 $0x20;
	s29 =	simm.s32 $0x40;
	s23 =	simm.s32 $0x60;
	v15 =	vmov v17  }
.LBB2_19:
.Ltmp22:
0x213: {  	(pc) =	sbr.rel .LBB2_24-.Ltmp22, $3  }
0x214: {  	_ =	sdelay $0x1  }
0x215: {  	s20 =	simm.s32 $0xA0;
	s25 =	simm.s32 $0x0;
	_ =	sdelay $0x1  }
0x216: {  	v18 =	vmov v19;
	s26 =	simm.s32 $0x20;
	s28 =	simm.s32 $0x40;
	s29 =	simm.s32 $0x60;
	v15 =	vmov v20  }
.LBB2_21:
.Ltmp23:
0x217: {  	(pc) =	sbr.rel .LBB2_24-.Ltmp23, $3  }
0x218: {  	_ =	sdelay $0x1  }
0x219: {  	s24 =	simm.s32 $0x0;
	s25 =	simm.s32 $0x20;
	s26 =	simm.s32 $0x40  }
0x21a: {  	s28 =	simm.s32 $0x60;
	s29 =	simm.s32 $0x80;
	s23 =	simm.s32 $0xA0  }
.LBB2_28:
0x21b: {  	_ =	sfence.sel $0x180000  }
0x21c: {  	[bflag:$0x0] =	sbarrier.arrive $0xFFFF  }
0x21d: {  	_ =	strace $0x90000047  }
0x21e: {  	[bflag:$0x2] =	sbarrier.arrive $0xFFFF  }
0x21f: {  	p0 =	sne.s32 s1, $0x0;
	s0 =	rddreg [dreg:$0x3]  }
0x220: {  	s0 =	sadd.s32 @!p0 $0x100000, s0  }
0x221: {  	[sflag:s0] =	ssyncadd.tile.s32 @!p0 $0x1;
	_ =	shalt  }
.Lfunc_end2:
_tile_overlayer_lowered:
.L_overlay_start_2:
0x222: {  	(tag) =	ssettag $0x2  }
0x223: {  	s0 =	rddreg [dreg:$0x0];
	s2 =	stileid.u32  }
0x224: {  	s1 =	rddreg [dreg:$0x1];
	p0 =	sne.s32 s2, $0x0  }
0x225: {  	s3 =	rddreg [dreg:$0x2];
	[bflag:$0x3] =	sbarrier.arrive $0xFFFF;
	s2 =	simm.s32 @!p0 $0x1C01  }
0x226: {  	[timem:s3], [sflag:s2] =	dma.local @!p0 [hbm:s0], s1  }
0x227: {  	s0 =	simm.s32 @!p0 $0x1  }
0x228: {  	_ =	swait.ge @!p0 [sflag:s0], s1  }
0x229: {  	s1 =	ssub.s32 @!p0 $0x0, s1;
	[sflag:s0] =	ssyncset.done @!p0 $0x0  }
0x22a: {  	[sflag:s0] =	ssyncadd.s32 @!p0 s1  }
0x22b: {  	[bflag:$0x3] =	sbarrier.arrive $0xFFFF  }
0x22c: {  	_ =	shalt  }

</sc_bundles>
